<compile_context>
chip_gen: v7x
topology: tpu7x:2x2x1
jax: 0.10.2.dev20260603
libtpu: 0.0.44.dev20260713+nightly
codegen_flags: <defaults>
</compile_context>

<pallas_src>
import functools

import jax
import jax.numpy as jnp
import numpy as np
from jax import lax
from jax.experimental import pallas as pl
from jax.experimental.pallas import tpu as pltpu
from jax.experimental.pallas import tpu_sc as plsc

N = 10000
D = 128
E = 320000

NC = 2
NS = 16
NW = NC * NS
CHUNK = 128
CH = -(-E // (NW * CHUNK))
CH0 = 102
CH1 = 2 * CH - CH0
E_PAD = NS * (CH0 + CH1) * CHUNK

ROWS_PER_TILE = 632
ROWS_LAST = N - (NS - 1) * ROWS_PER_TILE

_PERM = np.empty(D, np.int32)
for _g in range(D // 32):
    for _i in range(16):
        _PERM[16 * _g + _i] = 32 * _g + _i
        _PERM[64 + 16 * _g + _i] = 32 * _g + 16 + _i


def _rne_bf16_bits(f):
    b = pltpu.bitcast(f, jnp.int32)
    lsb = lax.shift_right_logical(b, 16) & 1
    return lax.shift_right_logical(b + 0x7FFF + lsb, 16)


def _mm_body(x_ref, w_ref, b_ref, o_ref):
    res = lax.dot_general(
        x_ref[...], w_ref[...], (((1,), (1,)), ((), ())),
        preferred_element_type=jnp.float32,
    ) + b_ref[...]
    lo = _rne_bf16_bits(res[:, : D // 2])
    hi = _rne_bf16_bits(res[:, D // 2:])
    o_ref[...] = lo | (hi << 16)


def _matmul(x, W, b):
    return pl.pallas_call(
        _mm_body,
        grid=(10,),
        in_specs=[
            pl.BlockSpec((N // 10, D), lambda i: (i, 0)),
            pl.BlockSpec((D, D), lambda i: (0, 0)),
            pl.BlockSpec((1, D), lambda i: (0, 0)),
        ],
        out_specs=pl.BlockSpec((N // 10, D // 2), lambda i: (i, 0)),
        out_shape=jax.ShapeDtypeStruct((N, D // 2), jnp.int32),
    )(x, W, b.reshape(1, D))


def _add_body(p_ref, o_ref):
    o_ref[...] = p_ref[0] + p_ref[1]


def _sum_partials(partials):
    return pl.pallas_call(
        _add_body,
        grid=(10,),
        in_specs=[pl.BlockSpec((2, N // 10, D), lambda i: (0, i, 0))],
        out_specs=pl.BlockSpec((N // 10, D), lambda i: (i, 0)),
        out_shape=jax.ShapeDtypeStruct((N, D), jnp.float32),
    )(partials)


@functools.cache
def _build_sc_scatter():
    mesh = plsc.VectorSubcoreMesh(
        core_axis_name="c", subcore_axis_name="s", num_cores=NC, num_subcores=NS
    )
    return pl.kernel(
        _sc_scatter_body,
        out_type=jax.ShapeDtypeStruct((NC, N, D), jnp.float32),
        mesh=mesh,
        compiler_params=pltpu.CompilerParams(use_tc_tiling_on_sc=False),
        scratch_types=[
            pltpu.VMEM((4, 3, CHUNK), jnp.int32),
            pltpu.VMEM((2, CHUNK, D // 2), jnp.int32),
            pltpu.VMEM((2, CHUNK, D), jnp.float32),
            pltpu.VMEM_SHARED((N, D), jnp.float32),
            pltpu.SemaphoreType.DMA,
            pltpu.SemaphoreType.DMA,
            pltpu.SemaphoreType.DMA,
        ],
    )


def _sc_scatter_body(support_hbm, eidx_hbm, out_hbm,
                     ebuf, rowsb, sbuf, acc, esem, gsem, ssem):
    c = lax.axis_index("c")
    s = lax.axis_index("s")
    wid = s * NC + c

    chc = jnp.where(c == 0, CH0, CH1)
    rec0 = s * (CH0 + CH1) + c * CH0

    pltpu.async_copy(eidx_hbm.at[rec0], ebuf.at[0], esem)

    zvec = jnp.zeros((16,), jnp.float32)

    @plsc.parallel_loop(0, CHUNK, unroll=4)
    def _zrow(i):
        for g in range(D // 16):
            sbuf[0, i, pl.ds(g * 16, 16)] = zvec

    base = s * ROWS_PER_TILE

    def _zero_rows(nrows):
        nfull = nrows // CHUNK
        rem = nrows - nfull * CHUNK
        for k in range(nfull):
            pltpu.sync_copy(sbuf.at[0], acc.at[pl.ds(base + k * CHUNK, CHUNK)])
        if rem:
            pltpu.sync_copy(sbuf.at[0, pl.ds(0, rem)],
                            acc.at[pl.ds(base + nfull * CHUNK, rem)])

    @pl.when(s < NS - 1)
    def _():
        _zero_rows(ROWS_PER_TILE)

    @pl.when(s == NS - 1)
    def _():
        _zero_rows(ROWS_LAST)

    plsc.subcore_barrier()

    pltpu.make_async_copy(eidx_hbm.at[rec0], ebuf.at[0], esem).wait()
    pltpu.async_copy(support_hbm.at[ebuf.at[0, 0]], rowsb.at[0], gsem)
    pltpu.async_copy(eidx_hbm.at[rec0 + 1], ebuf.at[1], esem)

    def _chunk(j, _):
        p = j & 1
        q = j & 3

        pltpu.make_async_copy(support_hbm.at[ebuf.at[q, 0]],
                              rowsb.at[p], gsem).wait()

        @pl.when(j + 1 < chc)
        def _():
            pltpu.make_async_copy(eidx_hbm.at[rec0 + j + 1],
                                  ebuf.at[(j + 1) & 3], esem).wait()

            @pl.when(j >= 1)
            def _():
                pltpu.make_async_copy(sbuf.at[1 - p],
                                      acc.at[ebuf.at[(j - 1) & 3, 1]],
                                      ssem).wait()

            pltpu.async_copy(support_hbm.at[ebuf.at[(j + 1) & 3, 0]],
                             rowsb.at[1 - p], gsem)

        @pl.when(j + 2 < chc)
        def _():
            pltpu.async_copy(eidx_hbm.at[rec0 + j + 2],
                             ebuf.at[(j + 2) & 3], esem)

        @plsc.parallel_loop(0, CHUNK, unroll=4)
        def _scale(e):
            wv = lax.bitcast_convert_type(
                ebuf[q, 2, pl.ds((e // 16) * 16, 16)], jnp.float32)
            w = wv[jnp.full((16,), e % 16, jnp.int32)]
            for g in range(D // 32):
                v = rowsb[p, e, pl.ds(g * 16, 16)]
                a = lax.bitcast_convert_type(v << 16, jnp.float32)
                b2 = lax.bitcast_convert_type(v & jnp.int32(-65536), jnp.float32)
                sbuf[p, e, pl.ds(g * 32, 16)] = a * w
                sbuf[p, e, pl.ds(g * 32 + 16, 16)] = b2 * w

        pltpu.async_copy(sbuf.at[p], acc.at[ebuf.at[q, 1]], ssem, add=True)
        return 0

    lax.fori_loop(0, chc, _chunk, 0)

    pltpu.make_async_copy(sbuf.at[0], acc.at[ebuf.at[0, 1]], ssem).wait()
    pltpu.make_async_copy(sbuf.at[1], acc.at[ebuf.at[1, 1]], ssem).wait()

    plsc.subcore_barrier()

    @pl.when(s < NS - 1)
    def _():
        pltpu.sync_copy(acc.at[pl.ds(base, ROWS_PER_TILE)],
                        out_hbm.at[c, pl.ds(base, ROWS_PER_TILE)])

    @pl.when(s == NS - 1)
    def _():
        pltpu.sync_copy(acc.at[pl.ds(base, ROWS_LAST)],
                        out_hbm.at[c, pl.ds(base, ROWS_LAST)])


def kernel(input, adj_edge_index, adj_edge_weight, W, b):
    perm = jnp.asarray(_PERM)
    support = _matmul(input, W[perm], b[perm])

    row = adj_edge_index[0]
    col = adj_edge_index[1]
    pad = E_PAD - E
    col_p = jnp.pad(col, (0, pad)).reshape(-1, CHUNK)
    row_p = jnp.pad(row, (0, pad)).reshape(-1, CHUNK)
    w_bits = lax.bitcast_convert_type(
        jnp.pad(adj_edge_weight, (0, pad)), jnp.int32).reshape(-1, CHUNK)
    eidx = jnp.stack([col_p, row_p, w_bits], axis=1)

    partials = _build_sc_scatter()(support, eidx)
    return _sum_partials(partials)

# --- scband reference (transcript-rebuilt; emitter-appended) ---
"""Pipeline reference for scband-graph-convolution-1580547967975 (READ-ONLY COPY).

The authoritative reference and input builder live on the scoring server;
editing this copy changes nothing except your own understanding.
"""

import jax, jax.numpy as jnp
import numpy as np

N = 10000
E = 320000
DIN = 128
DOUT = 128


def setup_inputs(seed: int = 0) -> dict:
    key = jax.random.key(seed)
    k1, k2, k3, k4, k5 = jax.random.split(key, 5)
    x = jax.random.normal(k1, (N, DIN), dtype=jnp.float32)
    edge_index = jax.random.randint(k2, (2, E), 0, N, dtype=jnp.int32)
    edge_weight = jax.random.uniform(k3, (E,), dtype=jnp.float32)
    stdv = 1.0 / np.sqrt(DIN)
    W = jax.random.uniform(k4, (DOUT, DIN), dtype=jnp.float32, minval=-stdv, maxval=stdv)
    b = jax.random.uniform(k5, (DOUT,), dtype=jnp.float32, minval=-stdv, maxval=stdv)
    return {"input": x, "adj_edge_index": edge_index, "adj_edge_weight": edge_weight, "W": W, "b": b}


def reference(input, adj_edge_index, adj_edge_weight, W, b):
    # support = self.W(input)  (nn.Linear: x @ W.T + b)
    support = input @ W.T + b
    # output = torch.spmm(adj, support)  with adj in COO form:
    # adj_edge_index[0] = row (dst), adj_edge_index[1] = col (src)
    row = adj_edge_index[0]
    col = adj_edge_index[1]
    msgs = adj_edge_weight[:, None] * jnp.take(support, col, axis=0)
    output = jnp.zeros((N, DOUT), dtype=support.dtype).at[row].add(msgs)
    return output

if __name__ == "__main__":
    import jax
    _d = setup_inputs()
    print(jax.jit(kernel)(*tuple(_d.values())))

</pallas_src>

<mosaic_0001>
#map = affine_map<(d0, d1) -> (0, 0)>
#map1 = affine_map<(d0, d1) -> (0, 0, 0)>
module attributes {stable_mosaic.version = 14 : i64} {
  func.func @_sc_scatter_body(%arg0: i32, %arg1: i32, %arg2: memref<10000x64xi32, #tpu.memory_space<hbm>>, %arg3: memref<2528x3x128xi32, #tpu.memory_space<hbm>>, %arg4: memref<2x10000x128xf32, #tpu.memory_space<hbm>>, %arg5: memref<4x3x128xi32, #tpu.memory_space<vmem>>, %arg6: memref<2x128x64xi32, #tpu.memory_space<vmem>>, %arg7: memref<2x128x128xf32, #tpu.memory_space<vmem>>, %arg8: memref<10000x128xf32, #tpu.memory_space<vmem_shared>>, %arg9: memref<!tpu.dma_semaphore, #tpu.memory_space<semaphore_mem>>, %arg10: memref<!tpu.dma_semaphore, #tpu.memory_space<semaphore_mem>>, %arg11: memref<!tpu.dma_semaphore, #tpu.memory_space<semaphore_mem>>) attributes {dimension_semantics = [#tpu.dimension_semantics<core_parallel>, #tpu.dimension_semantics<subcore_parallel>], iteration_bounds = array<i64: 2, 16>, scalar_prefetch = 0 : i64, scratch_operands = 7 : i64, tpu.core_type = #tpu.core_type<sc_vector_subcore>, window_params = [{transform_indices = #map}, {transform_indices = #map1}, {transform_indices = #map1}]} {
    %mul3A = arith.constant 2 : i32
    %mul3A_0 = arith.muli %arg1, %mul3A : i32
    %add3A = arith.addi %mul3A_0, %arg0 : i32
    %eq3A = arith.constant 0 : i32
    %eq3A_1 = arith.cmpi eq, %arg0, %eq3A : i32
    %jit3A = arith.constant 102 : i32
    %jit3A_2 = arith.constant 56 : i32
    %select_n3A = arith.select %eq3A_1, %jit3A, %jit3A_2 : i32
    %mul3A_3 = arith.constant 158 : i32
    %mul3A_4 = arith.muli %arg1, %mul3A_3 : i32
    %mul3A_5 = arith.constant 102 : i32
    %mul3A_6 = arith.muli %arg0, %mul3A_5 : i32
    %add3A_7 = arith.addi %mul3A_4, %mul3A_6 : i32
    %dma_start3A = arith.constant 0 : i32
    %dma_start3A_8 = arith.constant 0 : i32
    %dma_start3A_9 = arith.constant 0 : i32
    %dma_start3A_10 = tpu.memref_slice %arg5[%dma_start3A, %dma_start3A_8, %dma_start3A_9] : memref<4x3x128xi32, #tpu.memory_space<vmem>> -> memref<1x3x128xi32, #tpu.memory_space<vmem>>
    %dma_start3A_11 = tpu.memref_squeeze %dma_start3A_10 : memref<1x3x128xi32, #tpu.memory_space<vmem>> -> memref<3x128xi32, #tpu.memory_space<vmem>>
    %dma_start3A_12 = arith.constant 0 : i32
    %dma_start3A_13 = arith.constant 0 : i32
    %dma_start3A_14 = tpu.memref_slice %arg3[%add3A_7, %dma_start3A_12, %dma_start3A_13] : memref<2528x3x128xi32, #tpu.memory_space<hbm>> -> memref<1x3x128xi32, #tpu.memory_space<hbm>>
    %dma_start3A_15 = tpu.memref_squeeze %dma_start3A_14 : memref<1x3x128xi32, #tpu.memory_space<hbm>> -> memref<3x128xi32, #tpu.memory_space<hbm>>
    %dma_start3A_16 = arith.constant 0 : i32
    %dma_start3A_17 = arith.constant 0 : i32
    %dma_start3A_18 = tpu.memref_slice %arg5[%dma_start3A, %dma_start3A_16, %dma_start3A_17] : memref<4x3x128xi32, #tpu.memory_space<vmem>> -> memref<1x3x128xi32, #tpu.memory_space<vmem>>
    %dma_start3A_19 = tpu.memref_squeeze %dma_start3A_18 : memref<1x3x128xi32, #tpu.memory_space<vmem>> -> memref<3x128xi32, #tpu.memory_space<vmem>>
    %dma_start3A_20 = arith.constant 0 : i32
    %dma_start3A_21 = arith.constant 0 : i32
    %dma_start3A_22 = tpu.memref_slice %arg3[%add3A_7, %dma_start3A_20, %dma_start3A_21] : memref<2528x3x128xi32, #tpu.memory_space<hbm>> -> memref<1x3x128xi32, #tpu.memory_space<hbm>>
    %dma_start3A_23 = tpu.memref_squeeze %dma_start3A_22 : memref<1x3x128xi32, #tpu.memory_space<hbm>> -> memref<3x128xi32, #tpu.memory_space<hbm>>
    tpu.enqueue_dma source(%dma_start3A_23 : memref<3x128xi32, #tpu.memory_space<hbm>>) target(%dma_start3A_19 : memref<3x128xi32, #tpu.memory_space<vmem>>) target_semaphore(%arg9 : memref<!tpu.dma_semaphore, #tpu.memory_space<semaphore_mem>>)
    %broadcast_in_dim3A = arith.constant 0.000000e+00 : f32
    %broadcast_in_dim3A_24 = vector.broadcast %broadcast_in_dim3A : f32 to vector<16xf32>
    %parallel_loop3A = arith.constant 0 : i32
    %parallel_loop3A_25 = arith.constant 128 : i32
    %parallel_loop3A_26 = arith.constant 1 : i32
    scf.for %parallel_loop3A_132 = %parallel_loop3A to %parallel_loop3A_25 step %parallel_loop3A_26  : i32 {
      %parallel_loop3A_133 = arith.constant 0 : i32
      %parallel_loop3A_134 = arith.index_cast %parallel_loop3A_133 : i32 to index
      %parallel_loop3A_135 = arith.index_cast %parallel_loop3A_132 : i32 to index
      %parallel_loop3A_136 = arith.constant 0 : index
      %parallel_loop3A_137 = tpu.vector_load %arg7[%parallel_loop3A_134, %parallel_loop3A_135, %parallel_loop3A_136] {strides = array<i32>} : memref<2x128x128xf32, #tpu.memory_space<vmem>>, vector<1x1x16xf32>,
      %parallel_loop3A_138 = vector.shape_cast %parallel_loop3A_137 : vector<1x1x16xf32> to vector<16xf32>
      %parallel_loop3A_139 = vector.shape_cast %broadcast_in_dim3A_24 : vector<16xf32> to vector<1x1x16xf32>
      tpu.vector_store %arg7[%parallel_loop3A_134, %parallel_loop3A_135, %parallel_loop3A_136], %parallel_loop3A_139 {strides = array<i32>} : memref<2x128x128xf32, #tpu.memory_space<vmem>>, vector<1x1x16xf32>,
      %parallel_loop3A_140 = arith.constant 0 : i32
      %parallel_loop3A_141 = arith.index_cast %parallel_loop3A_140 : i32 to index
      %parallel_loop3A_142 = arith.index_cast %parallel_loop3A_132 : i32 to index
      %parallel_loop3A_143 = arith.constant 16 : index
      %parallel_loop3A_144 = tpu.vector_load %arg7[%parallel_loop3A_141, %parallel_loop3A_142, %parallel_loop3A_143] {strides = array<i32>} : memref<2x128x128xf32, #tpu.memory_space<vmem>>, vector<1x1x16xf32>,
      %parallel_loop3A_145 = vector.shape_cast %parallel_loop3A_144 : vector<1x1x16xf32> to vector<16xf32>
      %parallel_loop3A_146 = vector.shape_cast %broadcast_in_dim3A_24 : vector<16xf32> to vector<1x1x16xf32>
      tpu.vector_store %arg7[%parallel_loop3A_141, %parallel_loop3A_142, %parallel_loop3A_143], %parallel_loop3A_146 {strides = array<i32>} : memref<2x128x128xf32, #tpu.memory_space<vmem>>, vector<1x1x16xf32>,
      %parallel_loop3A_147 = arith.constant 0 : i32
      %parallel_loop3A_148 = arith.index_cast %parallel_loop3A_147 : i32 to index
      %parallel_loop3A_149 = arith.index_cast %parallel_loop3A_132 : i32 to index
      %parallel_loop3A_150 = arith.constant 32 : index
      %parallel_loop3A_151 = tpu.vector_load %arg7[%parallel_loop3A_148, %parallel_loop3A_149, %parallel_loop3A_150] {strides = array<i32>} : memref<2x128x128xf32, #tpu.memory_space<vmem>>, vector<1x1x16xf32>,
      %parallel_loop3A_152 = vector.shape_cast %parallel_loop3A_151 : vector<1x1x16xf32> to vector<16xf32>
      %parallel_loop3A_153 = vector.shape_cast %broadcast_in_dim3A_24 : vector<16xf32> to vector<1x1x16xf32>
      tpu.vector_store %arg7[%parallel_loop3A_148, %parallel_loop3A_149, %parallel_loop3A_150], %parallel_loop3A_153 {strides = array<i32>} : memref<2x128x128xf32, #tpu.memory_space<vmem>>, vector<1x1x16xf32>,
      %parallel_loop3A_154 = arith.constant 0 : i32
      %parallel_loop3A_155 = arith.index_cast %parallel_loop3A_154 : i32 to index
      %parallel_loop3A_156 = arith.index_cast %parallel_loop3A_132 : i32 to index
      %parallel_loop3A_157 = arith.constant 48 : index
      %parallel_loop3A_158 = tpu.vector_load %arg7[%parallel_loop3A_155, %parallel_loop3A_156, %parallel_loop3A_157] {strides = array<i32>} : memref<2x128x128xf32, #tpu.memory_space<vmem>>, vector<1x1x16xf32>,
      %parallel_loop3A_159 = vector.shape_cast %parallel_loop3A_158 : vector<1x1x16xf32> to vector<16xf32>
      %parallel_loop3A_160 = vector.shape_cast %broadcast_in_dim3A_24 : vector<16xf32> to vector<1x1x16xf32>
      tpu.vector_store %arg7[%parallel_loop3A_155, %parallel_loop3A_156, %parallel_loop3A_157], %parallel_loop3A_160 {strides = array<i32>} : memref<2x128x128xf32, #tpu.memory_space<vmem>>, vector<1x1x16xf32>,
      %parallel_loop3A_161 = arith.constant 0 : i32
      %parallel_loop3A_162 = arith.index_cast %parallel_loop3A_161 : i32 to index
      %parallel_loop3A_163 = arith.index_cast %parallel_loop3A_132 : i32 to index
      %parallel_loop3A_164 = arith.constant 64 : index
      %parallel_loop3A_165 = tpu.vector_load %arg7[%parallel_loop3A_162, %parallel_loop3A_163, %parallel_loop3A_164] {strides = array<i32>} : memref<2x128x128xf32, #tpu.memory_space<vmem>>, vector<1x1x16xf32>,
      %parallel_loop3A_166 = vector.shape_cast %parallel_loop3A_165 : vector<1x1x16xf32> to vector<16xf32>
      %parallel_loop3A_167 = vector.shape_cast %broadcast_in_dim3A_24 : vector<16xf32> to vector<1x1x16xf32>
      tpu.vector_store %arg7[%parallel_loop3A_162, %parallel_loop3A_163, %parallel_loop3A_164], %parallel_loop3A_167 {strides = array<i32>} : memref<2x128x128xf32, #tpu.memory_space<vmem>>, vector<1x1x16xf32>,
      %parallel_loop3A_168 = arith.constant 0 : i32
      %parallel_loop3A_169 = arith.index_cast %parallel_loop3A_168 : i32 to index
      %parallel_loop3A_170 = arith.index_cast %parallel_loop3A_132 : i32 to index
      %parallel_loop3A_171 = arith.constant 80 : index
      %parallel_loop3A_172 = tpu.vector_load %arg7[%parallel_loop3A_169, %parallel_loop3A_170, %parallel_loop3A_171] {strides = array<i32>} : memref<2x128x128xf32, #tpu.memory_space<vmem>>, vector<1x1x16xf32>,
      %parallel_loop3A_173 = vector.shape_cast %parallel_loop3A_172 : vector<1x1x16xf32> to vector<16xf32>
      %parallel_loop3A_174 = vector.shape_cast %broadcast_in_dim3A_24 : vector<16xf32> to vector<1x1x16xf32>
      tpu.vector_store %arg7[%parallel_loop3A_169, %parallel_loop3A_170, %parallel_loop3A_171], %parallel_loop3A_174 {strides = array<i32>} : memref<2x128x128xf32, #tpu.memory_space<vmem>>, vector<1x1x16xf32>,
      %parallel_loop3A_175 = arith.constant 0 : i32
      %parallel_loop3A_176 = arith.index_cast %parallel_loop3A_175 : i32 to index
      %parallel_loop3A_177 = arith.index_cast %parallel_loop3A_132 : i32 to index
      %parallel_loop3A_178 = arith.constant 96 : index
      %parallel_loop3A_179 = tpu.vector_load %arg7[%parallel_loop3A_176, %parallel_loop3A_177, %parallel_loop3A_178] {strides = array<i32>} : memref<2x128x128xf32, #tpu.memory_space<vmem>>, vector<1x1x16xf32>,
      %parallel_loop3A_180 = vector.shape_cast %parallel_loop3A_179 : vector<1x1x16xf32> to vector<16xf32>
      %parallel_loop3A_181 = vector.shape_cast %broadcast_in_dim3A_24 : vector<16xf32> to vector<1x1x16xf32>
      tpu.vector_store %arg7[%parallel_loop3A_176, %parallel_loop3A_177, %parallel_loop3A_178], %parallel_loop3A_181 {strides = array<i32>} : memref<2x128x128xf32, #tpu.memory_space<vmem>>, vector<1x1x16xf32>,
      %parallel_loop3A_182 = arith.constant 0 : i32
      %parallel_loop3A_183 = arith.index_cast %parallel_loop3A_182 : i32 to index
      %parallel_loop3A_184 = arith.index_cast %parallel_loop3A_132 : i32 to index
      %parallel_loop3A_185 = arith.constant 112 : index
      %parallel_loop3A_186 = tpu.vector_load %arg7[%parallel_loop3A_183, %parallel_loop3A_184, %parallel_loop3A_185] {strides = array<i32>} : memref<2x128x128xf32, #tpu.memory_space<vmem>>, vector<1x1x16xf32>,
      %parallel_loop3A_187 = vector.shape_cast %parallel_loop3A_186 : vector<1x1x16xf32> to vector<16xf32>
      %parallel_loop3A_188 = vector.shape_cast %broadcast_in_dim3A_24 : vector<16xf32> to vector<1x1x16xf32>
      tpu.vector_store %arg7[%parallel_loop3A_183, %parallel_loop3A_184, %parallel_loop3A_185], %parallel_loop3A_188 {strides = array<i32>} : memref<2x128x128xf32, #tpu.memory_space<vmem>>, vector<1x1x16xf32>,
    } {sc.loop_unroll_factor = 4 : i64, sc.parallel_access}
    %mul3A_27 = arith.constant 632 : i32
    %mul3A_28 = arith.muli %arg1, %mul3A_27 : i32
    %lt3A = arith.constant 15 : i32
    %lt3A_29 = arith.cmpi slt, %arg1, %lt3A : i32
    %convert_element_type3A = arith.extui %lt3A_29 : i1 to i32
    %cond3A = arith.constant 0 : i32
    %cond3A_30 = arith.cmpi ne, %convert_element_type3A, %cond3A : i32
    scf.if %cond3A_30 {
      %add3A_132 = arith.constant 0 : i32
      %add3A_133 = arith.addi %mul3A_28, %add3A_132 : i32
      %run_scoped3A = arith.constant 0 : i32
      "tpu.region"() ({
        %run_scoped3A_146 = tpu.sem_alloc : memref<!tpu.dma_semaphore, #tpu.memory_space<semaphore_mem>>
        %dma_start3A_147 = arith.constant 0 : i32
        %dma_start3A_148 = arith.constant 0 : i32
        %dma_start3A_149 = tpu.memref_slice %arg7[%run_scoped3A, %dma_start3A_147, %dma_start3A_148] : memref<2x128x128xf32, #tpu.memory_space<vmem>> -> memref<1x128x128xf32, #tpu.memory_space<vmem>>
        %dma_start3A_150 = tpu.memref_squeeze %dma_start3A_149 : memref<1x128x128xf32, #tpu.memory_space<vmem>> -> memref<128x128xf32, #tpu.memory_space<vmem>>
        %dma_start3A_151 = arith.constant 0 : i32
        %dma_start3A_152 = tpu.memref_slice %arg8[%add3A_133, %dma_start3A_151] : memref<10000x128xf32, #tpu.memory_space<vmem_shared>> -> memref<128x128xf32, #tpu.memory_space<vmem_shared>>
        %dma_start3A_153 = arith.constant 0 : i32
        %dma_start3A_154 = tpu.memref_slice %arg8[%add3A_133, %dma_start3A_153] : memref<10000x128xf32, #tpu.memory_space<vmem_shared>> -> memref<128x128xf32, #tpu.memory_space<vmem_shared>>
        %dma_start3A_155 = arith.constant 0 : i32
        %dma_start3A_156 = arith.constant 0 : i32
        %dma_start3A_157 = tpu.memref_slice %arg7[%run_scoped3A, %dma_start3A_155, %dma_start3A_156] : memref<2x128x128xf32, #tpu.memory_space<vmem>> -> memref<1x128x128xf32, #tpu.memory_space<vmem>>
        %dma_start3A_158 = tpu.memref_squeeze %dma_start3A_157 : memref<1x128x128xf32, #tpu.memory_space<vmem>> -> memref<128x128xf32, #tpu.memory_space<vmem>>
        tpu.enqueue_dma source(%dma_start3A_158 : memref<128x128xf32, #tpu.memory_space<vmem>>) target(%dma_start3A_154 : memref<128x128xf32, #tpu.memory_space<vmem_shared>>) target_semaphore(%run_scoped3A_146 : memref<!tpu.dma_semaphore, #tpu.memory_space<semaphore_mem>>)
        %dma_wait3A_159 = arith.constant 0 : i32
        %dma_wait3A_160 = arith.constant 0 : i32
        %dma_wait3A_161 = tpu.memref_slice %arg7[%run_scoped3A, %dma_wait3A_159, %dma_wait3A_160] : memref<2x128x128xf32, #tpu.memory_space<vmem>> -> memref<1x128x128xf32, #tpu.memory_space<vmem>>
        %dma_wait3A_162 = tpu.memref_squeeze %dma_wait3A_161 : memref<1x128x128xf32, #tpu.memory_space<vmem>> -> memref<128x128xf32, #tpu.memory_space<vmem>>
        %dma_wait3A_163 = arith.constant 0 : i32
        %dma_wait3A_164 = tpu.memref_slice %arg8[%add3A_133, %dma_wait3A_163] : memref<10000x128xf32, #tpu.memory_space<vmem_shared>> -> memref<128x128xf32, #tpu.memory_space<vmem_shared>>
        %dma_wait3A_165 = arith.constant 0 : i32
        %dma_wait3A_166 = tpu.memref_slice %arg8[%add3A_133, %dma_wait3A_165] : memref<10000x128xf32, #tpu.memory_space<vmem_shared>> -> memref<128x128xf32, #tpu.memory_space<vmem_shared>>
        %dma_wait3A_167 = arith.constant 0 : i32
        %dma_wait3A_168 = arith.constant 0 : i32
        %dma_wait3A_169 = tpu.memref_slice %arg7[%run_scoped3A, %dma_wait3A_167, %dma_wait3A_168] : memref<2x128x128xf32, #tpu.memory_space<vmem>> -> memref<1x128x128xf32, #tpu.memory_space<vmem>>
        %dma_wait3A_170 = tpu.memref_squeeze %dma_wait3A_169 : memref<1x128x128xf32, #tpu.memory_space<vmem>> -> memref<128x128xf32, #tpu.memory_space<vmem>>
        tpu.wait_dma2 semaphore(%run_scoped3A_146 : memref<!tpu.dma_semaphore, #tpu.memory_space<semaphore_mem>>) src(%dma_wait3A_170 : memref<128x128xf32, #tpu.memory_space<vmem>>) dst(%dma_wait3A_166 : memref<128x128xf32, #tpu.memory_space<vmem_shared>>)
        tpu.yield
      }) : () -> ()
      %add3A_134 = arith.constant 128 : i32
      %add3A_135 = arith.addi %mul3A_28, %add3A_134 : i32
      %run_scoped3A_136 = arith.constant 0 : i32
      "tpu.region"() ({
        %run_scoped3A_146 = tpu.sem_alloc : memref<!tpu.dma_semaphore, #tpu.memory_space<semaphore_mem>>
        %dma_start3A_147 = arith.constant 0 : i32
        %dma_start3A_148 = arith.constant 0 : i32
        %dma_start3A_149 = tpu.memref_slice %arg7[%run_scoped3A_136, %dma_start3A_147, %dma_start3A_148] : memref<2x128x128xf32, #tpu.memory_space<vmem>> -> memref<1x128x128xf32, #tpu.memory_space<vmem>>
        %dma_start3A_150 = tpu.memref_squeeze %dma_start3A_149 : memref<1x128x128xf32, #tpu.memory_space<vmem>> -> memref<128x128xf32, #tpu.memory_space<vmem>>
        %dma_start3A_151 = arith.constant 0 : i32
        %dma_start3A_152 = tpu.memref_slice %arg8[%add3A_135, %dma_start3A_151] : memref<10000x128xf32, #tpu.memory_space<vmem_shared>> -> memref<128x128xf32, #tpu.memory_space<vmem_shared>>
        %dma_start3A_153 = arith.constant 0 : i32
        %dma_start3A_154 = tpu.memref_slice %arg8[%add3A_135, %dma_start3A_153] : memref<10000x128xf32, #tpu.memory_space<vmem_shared>> -> memref<128x128xf32, #tpu.memory_space<vmem_shared>>
        %dma_start3A_155 = arith.constant 0 : i32
        %dma_start3A_156 = arith.constant 0 : i32
        %dma_start3A_157 = tpu.memref_slice %arg7[%run_scoped3A_136, %dma_start3A_155, %dma_start3A_156] : memref<2x128x128xf32, #tpu.memory_space<vmem>> -> memref<1x128x128xf32, #tpu.memory_space<vmem>>
        %dma_start3A_158 = tpu.memref_squeeze %dma_start3A_157 : memref<1x128x128xf32, #tpu.memory_space<vmem>> -> memref<128x128xf32, #tpu.memory_space<vmem>>
        tpu.enqueue_dma source(%dma_start3A_158 : memref<128x128xf32, #tpu.memory_space<vmem>>) target(%dma_start3A_154 : memref<128x128xf32, #tpu.memory_space<vmem_shared>>) target_semaphore(%run_scoped3A_146 : memref<!tpu.dma_semaphore, #tpu.memory_space<semaphore_mem>>)
        %dma_wait3A_159 = arith.constant 0 : i32
        %dma_wait3A_160 = arith.constant 0 : i32
        %dma_wait3A_161 = tpu.memref_slice %arg7[%run_scoped3A_136, %dma_wait3A_159, %dma_wait3A_160] : memref<2x128x128xf32, #tpu.memory_space<vmem>> -> memref<1x128x128xf32, #tpu.memory_space<vmem>>
        %dma_wait3A_162 = tpu.memref_squeeze %dma_wait3A_161 : memref<1x128x128xf32, #tpu.memory_space<vmem>> -> memref<128x128xf32, #tpu.memory_space<vmem>>
        %dma_wait3A_163 = arith.constant 0 : i32
        %dma_wait3A_164 = tpu.memref_slice %arg8[%add3A_135, %dma_wait3A_163] : memref<10000x128xf32, #tpu.memory_space<vmem_shared>> -> memref<128x128xf32, #tpu.memory_space<vmem_shared>>
        %dma_wait3A_165 = arith.constant 0 : i32
        %dma_wait3A_166 = tpu.memref_slice %arg8[%add3A_135, %dma_wait3A_165] : memref<10000x128xf32, #tpu.memory_space<vmem_shared>> -> memref<128x128xf32, #tpu.memory_space<vmem_shared>>
        %dma_wait3A_167 = arith.constant 0 : i32
        %dma_wait3A_168 = arith.constant 0 : i32
        %dma_wait3A_169 = tpu.memref_slice %arg7[%run_scoped3A_136, %dma_wait3A_167, %dma_wait3A_168] : memref<2x128x128xf32, #tpu.memory_space<vmem>> -> memref<1x128x128xf32, #tpu.memory_space<vmem>>
        %dma_wait3A_170 = tpu.memref_squeeze %dma_wait3A_169 : memref<1x128x128xf32, #tpu.memory_space<vmem>> -> memref<128x128xf32, #tpu.memory_space<vmem>>
        tpu.wait_dma2 semaphore(%run_scoped3A_146 : memref<!tpu.dma_semaphore, #tpu.memory_space<semaphore_mem>>) src(%dma_wait3A_170 : memref<128x128xf32, #tpu.memory_space<vmem>>) dst(%dma_wait3A_166 : memref<128x128xf32, #tpu.memory_space<vmem_shared>>)
        tpu.yield
      }) : () -> ()
      %add3A_137 = arith.constant 256 : i32
      %add3A_138 = arith.addi %mul3A_28, %add3A_137 : i32
      %run_scoped3A_139 = arith.constant 0 : i32
      "tpu.region"() ({
        %run_scoped3A_146 = tpu.sem_alloc : memref<!tpu.dma_semaphore, #tpu.memory_space<semaphore_mem>>
        %dma_start3A_147 = arith.constant 0 : i32
        %dma_start3A_148 = arith.constant 0 : i32
        %dma_start3A_149 = tpu.memref_slice %arg7[%run_scoped3A_139, %dma_start3A_147, %dma_start3A_148] : memref<2x128x128xf32, #tpu.memory_space<vmem>> -> memref<1x128x128xf32, #tpu.memory_space<vmem>>
        %dma_start3A_150 = tpu.memref_squeeze %dma_start3A_149 : memref<1x128x128xf32, #tpu.memory_space<vmem>> -> memref<128x128xf32, #tpu.memory_space<vmem>>
        %dma_start3A_151 = arith.constant 0 : i32
        %dma_start3A_152 = tpu.memref_slice %arg8[%add3A_138, %dma_start3A_151] : memref<10000x128xf32, #tpu.memory_space<vmem_shared>> -> memref<128x128xf32, #tpu.memory_space<vmem_shared>>
        %dma_start3A_153 = arith.constant 0 : i32
        %dma_start3A_154 = tpu.memref_slice %arg8[%add3A_138, %dma_start3A_153] : memref<10000x128xf32, #tpu.memory_space<vmem_shared>> -> memref<128x128xf32, #tpu.memory_space<vmem_shared>>
        %dma_start3A_155 = arith.constant 0 : i32
        %dma_start3A_156 = arith.constant 0 : i32
        %dma_start3A_157 = tpu.memref_slice %arg7[%run_scoped3A_139, %dma_start3A_155, %dma_start3A_156] : memref<2x128x128xf32, #tpu.memory_space<vmem>> -> memref<1x128x128xf32, #tpu.memory_space<vmem>>
        %dma_start3A_158 = tpu.memref_squeeze %dma_start3A_157 : memref<1x128x128xf32, #tpu.memory_space<vmem>> -> memref<128x128xf32, #tpu.memory_space<vmem>>
        tpu.enqueue_dma source(%dma_start3A_158 : memref<128x128xf32, #tpu.memory_space<vmem>>) target(%dma_start3A_154 : memref<128x128xf32, #tpu.memory_space<vmem_shared>>) target_semaphore(%run_scoped3A_146 : memref<!tpu.dma_semaphore, #tpu.memory_space<semaphore_mem>>)
        %dma_wait3A_159 = arith.constant 0 : i32
        %dma_wait3A_160 = arith.constant 0 : i32
        %dma_wait3A_161 = tpu.memref_slice %arg7[%run_scoped3A_139, %dma_wait3A_159, %dma_wait3A_160] : memref<2x128x128xf32, #tpu.memory_space<vmem>> -> memref<1x128x128xf32, #tpu.memory_space<vmem>>
        %dma_wait3A_162 = tpu.memref_squeeze %dma_wait3A_161 : memref<1x128x128xf32, #tpu.memory_space<vmem>> -> memref<128x128xf32, #tpu.memory_space<vmem>>
        %dma_wait3A_163 = arith.constant 0 : i32
        %dma_wait3A_164 = tpu.memref_slice %arg8[%add3A_138, %dma_wait3A_163] : memref<10000x128xf32, #tpu.memory_space<vmem_shared>> -> memref<128x128xf32, #tpu.memory_space<vmem_shared>>
        %dma_wait3A_165 = arith.constant 0 : i32
        %dma_wait3A_166 = tpu.memref_slice %arg8[%add3A_138, %dma_wait3A_165] : memref<10000x128xf32, #tpu.memory_space<vmem_shared>> -> memref<128x128xf32, #tpu.memory_space<vmem_shared>>
        %dma_wait3A_167 = arith.constant 0 : i32
        %dma_wait3A_168 = arith.constant 0 : i32
        %dma_wait3A_169 = tpu.memref_slice %arg7[%run_scoped3A_139, %dma_wait3A_167, %dma_wait3A_168] : memref<2x128x128xf32, #tpu.memory_space<vmem>> -> memref<1x128x128xf32, #tpu.memory_space<vmem>>
        %dma_wait3A_170 = tpu.memref_squeeze %dma_wait3A_169 : memref<1x128x128xf32, #tpu.memory_space<vmem>> -> memref<128x128xf32, #tpu.memory_space<vmem>>
        tpu.wait_dma2 semaphore(%run_scoped3A_146 : memref<!tpu.dma_semaphore, #tpu.memory_space<semaphore_mem>>) src(%dma_wait3A_170 : memref<128x128xf32, #tpu.memory_space<vmem>>) dst(%dma_wait3A_166 : memref<128x128xf32, #tpu.memory_space<vmem_shared>>)
        tpu.yield
      }) : () -> ()
      %add3A_140 = arith.constant 384 : i32
      %add3A_141 = arith.addi %mul3A_28, %add3A_140 : i32
      %run_scoped3A_142 = arith.constant 0 : i32
      "tpu.region"() ({
        %run_scoped3A_146 = tpu.sem_alloc : memref<!tpu.dma_semaphore, #tpu.memory_space<semaphore_mem>>
        %dma_start3A_147 = arith.constant 0 : i32
        %dma_start3A_148 = arith.constant 0 : i32
        %dma_start3A_149 = tpu.memref_slice %arg7[%run_scoped3A_142, %dma_start3A_147, %dma_start3A_148] : memref<2x128x128xf32, #tpu.memory_space<vmem>> -> memref<1x128x128xf32, #tpu.memory_space<vmem>>
        %dma_start3A_150 = tpu.memref_squeeze %dma_start3A_149 : memref<1x128x128xf32, #tpu.memory_space<vmem>> -> memref<128x128xf32, #tpu.memory_space<vmem>>
        %dma_start3A_151 = arith.constant 0 : i32
        %dma_start3A_152 = tpu.memref_slice %arg8[%add3A_141, %dma_start3A_151] : memref<10000x128xf32, #tpu.memory_space<vmem_shared>> -> memref<128x128xf32, #tpu.memory_space<vmem_shared>>
        %dma_start3A_153 = arith.constant 0 : i32
        %dma_start3A_154 = tpu.memref_slice %arg8[%add3A_141, %dma_start3A_153] : memref<10000x128xf32, #tpu.memory_space<vmem_shared>> -> memref<128x128xf32, #tpu.memory_space<vmem_shared>>
        %dma_start3A_155 = arith.constant 0 : i32
        %dma_start3A_156 = arith.constant 0 : i32
        %dma_start3A_157 = tpu.memref_slice %arg7[%run_scoped3A_142, %dma_start3A_155, %dma_start3A_156] : memref<2x128x128xf32, #tpu.memory_space<vmem>> -> memref<1x128x128xf32, #tpu.memory_space<vmem>>
        %dma_start3A_158 = tpu.memref_squeeze %dma_start3A_157 : memref<1x128x128xf32, #tpu.memory_space<vmem>> -> memref<128x128xf32, #tpu.memory_space<vmem>>
        tpu.enqueue_dma source(%dma_start3A_158 : memref<128x128xf32, #tpu.memory_space<vmem>>) target(%dma_start3A_154 : memref<128x128xf32, #tpu.memory_space<vmem_shared>>) target_semaphore(%run_scoped3A_146 : memref<!tpu.dma_semaphore, #tpu.memory_space<semaphore_mem>>)
        %dma_wait3A_159 = arith.constant 0 : i32
        %dma_wait3A_160 = arith.constant 0 : i32
        %dma_wait3A_161 = tpu.memref_slice %arg7[%run_scoped3A_142, %dma_wait3A_159, %dma_wait3A_160] : memref<2x128x128xf32, #tpu.memory_space<vmem>> -> memref<1x128x128xf32, #tpu.memory_space<vmem>>
        %dma_wait3A_162 = tpu.memref_squeeze %dma_wait3A_161 : memref<1x128x128xf32, #tpu.memory_space<vmem>> -> memref<128x128xf32, #tpu.memory_space<vmem>>
        %dma_wait3A_163 = arith.constant 0 : i32
        %dma_wait3A_164 = tpu.memref_slice %arg8[%add3A_141, %dma_wait3A_163] : memref<10000x128xf32, #tpu.memory_space<vmem_shared>> -> memref<128x128xf32, #tpu.memory_space<vmem_shared>>
        %dma_wait3A_165 = arith.constant 0 : i32
        %dma_wait3A_166 = tpu.memref_slice %arg8[%add3A_141, %dma_wait3A_165] : memref<10000x128xf32, #tpu.memory_space<vmem_shared>> -> memref<128x128xf32, #tpu.memory_space<vmem_shared>>
        %dma_wait3A_167 = arith.constant 0 : i32
        %dma_wait3A_168 = arith.constant 0 : i32
        %dma_wait3A_169 = tpu.memref_slice %arg7[%run_scoped3A_142, %dma_wait3A_167, %dma_wait3A_168] : memref<2x128x128xf32, #tpu.memory_space<vmem>> -> memref<1x128x128xf32, #tpu.memory_space<vmem>>
        %dma_wait3A_170 = tpu.memref_squeeze %dma_wait3A_169 : memref<1x128x128xf32, #tpu.memory_space<vmem>> -> memref<128x128xf32, #tpu.memory_space<vmem>>
        tpu.wait_dma2 semaphore(%run_scoped3A_146 : memref<!tpu.dma_semaphore, #tpu.memory_space<semaphore_mem>>) src(%dma_wait3A_170 : memref<128x128xf32, #tpu.memory_space<vmem>>) dst(%dma_wait3A_166 : memref<128x128xf32, #tpu.memory_space<vmem_shared>>)
        tpu.yield
      }) : () -> ()
      %add3A_143 = arith.constant 512 : i32
      %add3A_144 = arith.addi %mul3A_28, %add3A_143 : i32
      %run_scoped3A_145 = arith.constant 0 : i32
      "tpu.region"() ({
        %run_scoped3A_146 = tpu.sem_alloc : memref<!tpu.dma_semaphore, #tpu.memory_space<semaphore_mem>>
        %dma_start3A_147 = arith.constant 0 : i32
        %dma_start3A_148 = arith.constant 0 : i32
        %dma_start3A_149 = tpu.memref_slice %arg7[%run_scoped3A_145, %dma_start3A_147, %dma_start3A_148] : memref<2x128x128xf32, #tpu.memory_space<vmem>> -> memref<1x120x128xf32, #tpu.memory_space<vmem>>
        %dma_start3A_150 = tpu.memref_squeeze %dma_start3A_149 : memref<1x120x128xf32, #tpu.memory_space<vmem>> -> memref<120x128xf32, #tpu.memory_space<vmem>>
        %dma_start3A_151 = arith.constant 0 : i32
        %dma_start3A_152 = tpu.memref_slice %arg8[%add3A_144, %dma_start3A_151] : memref<10000x128xf32, #tpu.memory_space<vmem_shared>> -> memref<120x128xf32, #tpu.memory_space<vmem_shared>>
        %dma_start3A_153 = arith.constant 0 : i32
        %dma_start3A_154 = tpu.memref_slice %arg8[%add3A_144, %dma_start3A_153] : memref<10000x128xf32, #tpu.memory_space<vmem_shared>> -> memref<120x128xf32, #tpu.memory_space<vmem_shared>>
        %dma_start3A_155 = arith.constant 0 : i32
        %dma_start3A_156 = arith.constant 0 : i32
        %dma_start3A_157 = tpu.memref_slice %arg7[%run_scoped3A_145, %dma_start3A_155, %dma_start3A_156] : memref<2x128x128xf32, #tpu.memory_space<vmem>> -> memref<1x120x128xf32, #tpu.memory_space<vmem>>
        %dma_start3A_158 = tpu.memref_squeeze %dma_start3A_157 : memref<1x120x128xf32, #tpu.memory_space<vmem>> -> memref<120x128xf32, #tpu.memory_space<vmem>>
        tpu.enqueue_dma source(%dma_start3A_158 : memref<120x128xf32, #tpu.memory_space<vmem>>) target(%dma_start3A_154 : memref<120x128xf32, #tpu.memory_space<vmem_shared>>) target_semaphore(%run_scoped3A_146 : memref<!tpu.dma_semaphore, #tpu.memory_space<semaphore_mem>>)
        %dma_wait3A_159 = arith.constant 0 : i32
        %dma_wait3A_160 = arith.constant 0 : i32
        %dma_wait3A_161 = tpu.memref_slice %arg7[%run_scoped3A_145, %dma_wait3A_159, %dma_wait3A_160] : memref<2x128x128xf32, #tpu.memory_space<vmem>> -> memref<1x120x128xf32, #tpu.memory_space<vmem>>
        %dma_wait3A_162 = tpu.memref_squeeze %dma_wait3A_161 : memref<1x120x128xf32, #tpu.memory_space<vmem>> -> memref<120x128xf32, #tpu.memory_space<vmem>>
        %dma_wait3A_163 = arith.constant 0 : i32
        %dma_wait3A_164 = tpu.memref_slice %arg8[%add3A_144, %dma_wait3A_163] : memref<10000x128xf32, #tpu.memory_space<vmem_shared>> -> memref<120x128xf32, #tpu.memory_space<vmem_shared>>
        %dma_wait3A_165 = arith.constant 0 : i32
        %dma_wait3A_166 = tpu.memref_slice %arg8[%add3A_144, %dma_wait3A_165] : memref<10000x128xf32, #tpu.memory_space<vmem_shared>> -> memref<120x128xf32, #tpu.memory_space<vmem_shared>>
        %dma_wait3A_167 = arith.constant 0 : i32
        %dma_wait3A_168 = arith.constant 0 : i32
        %dma_wait3A_169 = tpu.memref_slice %arg7[%run_scoped3A_145, %dma_wait3A_167, %dma_wait3A_168] : memref<2x128x128xf32, #tpu.memory_space<vmem>> -> memref<1x120x128xf32, #tpu.memory_space<vmem>>
        %dma_wait3A_170 = tpu.memref_squeeze %dma_wait3A_169 : memref<1x120x128xf32, #tpu.memory_space<vmem>> -> memref<120x128xf32, #tpu.memory_space<vmem>>
        tpu.wait_dma2 semaphore(%run_scoped3A_146 : memref<!tpu.dma_semaphore, #tpu.memory_space<semaphore_mem>>) src(%dma_wait3A_170 : memref<120x128xf32, #tpu.memory_space<vmem>>) dst(%dma_wait3A_166 : memref<120x128xf32, #tpu.memory_space<vmem_shared>>)
        tpu.yield
      }) : () -> ()
    } else {
    }
    %eq3A_31 = arith.constant 15 : i32
    %eq3A_32 = arith.cmpi eq, %arg1, %eq3A_31 : i32
    %convert_element_type3A_33 = arith.extui %eq3A_32 : i1 to i32
    %cond3A_34 = arith.constant 0 : i32
    %cond3A_35 = arith.cmpi ne, %convert_element_type3A_33, %cond3A_34 : i32
    scf.if %cond3A_35 {
      %add3A_132 = arith.constant 0 : i32
      %add3A_133 = arith.addi %mul3A_28, %add3A_132 : i32
      %run_scoped3A = arith.constant 0 : i32
      "tpu.region"() ({
        %run_scoped3A_146 = tpu.sem_alloc : memref<!tpu.dma_semaphore, #tpu.memory_space<semaphore_mem>>
        %dma_start3A_147 = arith.constant 0 : i32
        %dma_start3A_148 = arith.constant 0 : i32
        %dma_start3A_149 = tpu.memref_slice %arg7[%run_scoped3A, %dma_start3A_147, %dma_start3A_148] : memref<2x128x128xf32, #tpu.memory_space<vmem>> -> memref<1x128x128xf32, #tpu.memory_space<vmem>>
        %dma_start3A_150 = tpu.memref_squeeze %dma_start3A_149 : memref<1x128x128xf32, #tpu.memory_space<vmem>> -> memref<128x128xf32, #tpu.memory_space<vmem>>
        %dma_start3A_151 = arith.constant 0 : i32
        %dma_start3A_152 = tpu.memref_slice %arg8[%add3A_133, %dma_start3A_151] : memref<10000x128xf32, #tpu.memory_space<vmem_shared>> -> memref<128x128xf32, #tpu.memory_space<vmem_shared>>
        %dma_start3A_153 = arith.constant 0 : i32
        %dma_start3A_154 = tpu.memref_slice %arg8[%add3A_133, %dma_start3A_153] : memref<10000x128xf32, #tpu.memory_space<vmem_shared>> -> memref<128x128xf32, #tpu.memory_space<vmem_shared>>
        %dma_start3A_155 = arith.constant 0 : i32
        %dma_start3A_156 = arith.constant 0 : i32
        %dma_start3A_157 = tpu.memref_slice %arg7[%run_scoped3A, %dma_start3A_155, %dma_start3A_156] : memref<2x128x128xf32, #tpu.memory_space<vmem>> -> memref<1x128x128xf32, #tpu.memory_space<vmem>>
        %dma_start3A_158 = tpu.memref_squeeze %dma_start3A_157 : memref<1x128x128xf32, #tpu.memory_space<vmem>> -> memref<128x128xf32, #tpu.memory_space<vmem>>
        tpu.enqueue_dma source(%dma_start3A_158 : memref<128x128xf32, #tpu.memory_space<vmem>>) target(%dma_start3A_154 : memref<128x128xf32, #tpu.memory_space<vmem_shared>>) target_semaphore(%run_scoped3A_146 : memref<!tpu.dma_semaphore, #tpu.memory_space<semaphore_mem>>)
        %dma_wait3A_159 = arith.constant 0 : i32
        %dma_wait3A_160 = arith.constant 0 : i32
        %dma_wait3A_161 = tpu.memref_slice %arg7[%run_scoped3A, %dma_wait3A_159, %dma_wait3A_160] : memref<2x128x128xf32, #tpu.memory_space<vmem>> -> memref<1x128x128xf32, #tpu.memory_space<vmem>>
        %dma_wait3A_162 = tpu.memref_squeeze %dma_wait3A_161 : memref<1x128x128xf32, #tpu.memory_space<vmem>> -> memref<128x128xf32, #tpu.memory_space<vmem>>
        %dma_wait3A_163 = arith.constant 0 : i32
        %dma_wait3A_164 = tpu.memref_slice %arg8[%add3A_133, %dma_wait3A_163] : memref<10000x128xf32, #tpu.memory_space<vmem_shared>> -> memref<128x128xf32, #tpu.memory_space<vmem_shared>>
        %dma_wait3A_165 = arith.constant 0 : i32
        %dma_wait3A_166 = tpu.memref_slice %arg8[%add3A_133, %dma_wait3A_165] : memref<10000x128xf32, #tpu.memory_space<vmem_shared>> -> memref<128x128xf32, #tpu.memory_space<vmem_shared>>
        %dma_wait3A_167 = arith.constant 0 : i32
        %dma_wait3A_168 = arith.constant 0 : i32
        %dma_wait3A_169 = tpu.memref_slice %arg7[%run_scoped3A, %dma_wait3A_167, %dma_wait3A_168] : memref<2x128x128xf32, #tpu.memory_space<vmem>> -> memref<1x128x128xf32, #tpu.memory_space<vmem>>
        %dma_wait3A_170 = tpu.memref_squeeze %dma_wait3A_169 : memref<1x128x128xf32, #tpu.memory_space<vmem>> -> memref<128x128xf32, #tpu.memory_space<vmem>>
        tpu.wait_dma2 semaphore(%run_scoped3A_146 : memref<!tpu.dma_semaphore, #tpu.memory_space<semaphore_mem>>) src(%dma_wait3A_170 : memref<128x128xf32, #tpu.memory_space<vmem>>) dst(%dma_wait3A_166 : memref<128x128xf32, #tpu.memory_space<vmem_shared>>)
        tpu.yield
      }) : () -> ()
      %add3A_134 = arith.constant 128 : i32
      %add3A_135 = arith.addi %mul3A_28, %add3A_134 : i32
      %run_scoped3A_136 = arith.constant 0 : i32
      "tpu.region"() ({
        %run_scoped3A_146 = tpu.sem_alloc : memref<!tpu.dma_semaphore, #tpu.memory_space<semaphore_mem>>
        %dma_start3A_147 = arith.constant 0 : i32
        %dma_start3A_148 = arith.constant 0 : i32
        %dma_start3A_149 = tpu.memref_slice %arg7[%run_scoped3A_136, %dma_start3A_147, %dma_start3A_148] : memref<2x128x128xf32, #tpu.memory_space<vmem>> -> memref<1x128x128xf32, #tpu.memory_space<vmem>>
        %dma_start3A_150 = tpu.memref_squeeze %dma_start3A_149 : memref<1x128x128xf32, #tpu.memory_space<vmem>> -> memref<128x128xf32, #tpu.memory_space<vmem>>
        %dma_start3A_151 = arith.constant 0 : i32
        %dma_start3A_152 = tpu.memref_slice %arg8[%add3A_135, %dma_start3A_151] : memref<10000x128xf32, #tpu.memory_space<vmem_shared>> -> memref<128x128xf32, #tpu.memory_space<vmem_shared>>
        %dma_start3A_153 = arith.constant 0 : i32
        %dma_start3A_154 = tpu.memref_slice %arg8[%add3A_135, %dma_start3A_153] : memref<10000x128xf32, #tpu.memory_space<vmem_shared>> -> memref<128x128xf32, #tpu.memory_space<vmem_shared>>
        %dma_start3A_155 = arith.constant 0 : i32
        %dma_start3A_156 = arith.constant 0 : i32
        %dma_start3A_157 = tpu.memref_slice %arg7[%run_scoped3A_136, %dma_start3A_155, %dma_start3A_156] : memref<2x128x128xf32, #tpu.memory_space<vmem>> -> memref<1x128x128xf32, #tpu.memory_space<vmem>>
        %dma_start3A_158 = tpu.memref_squeeze %dma_start3A_157 : memref<1x128x128xf32, #tpu.memory_space<vmem>> -> memref<128x128xf32, #tpu.memory_space<vmem>>
        tpu.enqueue_dma source(%dma_start3A_158 : memref<128x128xf32, #tpu.memory_space<vmem>>) target(%dma_start3A_154 : memref<128x128xf32, #tpu.memory_space<vmem_shared>>) target_semaphore(%run_scoped3A_146 : memref<!tpu.dma_semaphore, #tpu.memory_space<semaphore_mem>>)
        %dma_wait3A_159 = arith.constant 0 : i32
        %dma_wait3A_160 = arith.constant 0 : i32
        %dma_wait3A_161 = tpu.memref_slice %arg7[%run_scoped3A_136, %dma_wait3A_159, %dma_wait3A_160] : memref<2x128x128xf32, #tpu.memory_space<vmem>> -> memref<1x128x128xf32, #tpu.memory_space<vmem>>
        %dma_wait3A_162 = tpu.memref_squeeze %dma_wait3A_161 : memref<1x128x128xf32, #tpu.memory_space<vmem>> -> memref<128x128xf32, #tpu.memory_space<vmem>>
        %dma_wait3A_163 = arith.constant 0 : i32
        %dma_wait3A_164 = tpu.memref_slice %arg8[%add3A_135, %dma_wait3A_163] : memref<10000x128xf32, #tpu.memory_space<vmem_shared>> -> memref<128x128xf32, #tpu.memory_space<vmem_shared>>
        %dma_wait3A_165 = arith.constant 0 : i32
        %dma_wait3A_166 = tpu.memref_slice %arg8[%add3A_135, %dma_wait3A_165] : memref<10000x128xf32, #tpu.memory_space<vmem_shared>> -> memref<128x128xf32, #tpu.memory_space<vmem_shared>>
        %dma_wait3A_167 = arith.constant 0 : i32
        %dma_wait3A_168 = arith.constant 0 : i32
        %dma_wait3A_169 = tpu.memref_slice %arg7[%run_scoped3A_136, %dma_wait3A_167, %dma_wait3A_168] : memref<2x128x128xf32, #tpu.memory_space<vmem>> -> memref<1x128x128xf32, #tpu.memory_space<vmem>>
        %dma_wait3A_170 = tpu.memref_squeeze %dma_wait3A_169 : memref<1x128x128xf32, #tpu.memory_space<vmem>> -> memref<128x128xf32, #tpu.memory_space<vmem>>
        tpu.wait_dma2 semaphore(%run_scoped3A_146 : memref<!tpu.dma_semaphore, #tpu.memory_space<semaphore_mem>>) src(%dma_wait3A_170 : memref<128x128xf32, #tpu.memory_space<vmem>>) dst(%dma_wait3A_166 : memref<128x128xf32, #tpu.memory_space<vmem_shared>>)
        tpu.yield
      }) : () -> ()
      %add3A_137 = arith.constant 256 : i32
      %add3A_138 = arith.addi %mul3A_28, %add3A_137 : i32
      %run_scoped3A_139 = arith.constant 0 : i32
      "tpu.region"() ({
        %run_scoped3A_146 = tpu.sem_alloc : memref<!tpu.dma_semaphore, #tpu.memory_space<semaphore_mem>>
        %dma_start3A_147 = arith.constant 0 : i32
        %dma_start3A_148 = arith.constant 0 : i32
        %dma_start3A_149 = tpu.memref_slice %arg7[%run_scoped3A_139, %dma_start3A_147, %dma_start3A_148] : memref<2x128x128xf32, #tpu.memory_space<vmem>> -> memref<1x128x128xf32, #tpu.memory_space<vmem>>
        %dma_start3A_150 = tpu.memref_squeeze %dma_start3A_149 : memref<1x128x128xf32, #tpu.memory_space<vmem>> -> memref<128x128xf32, #tpu.memory_space<vmem>>
        %dma_start3A_151 = arith.constant 0 : i32
        %dma_start3A_152 = tpu.memref_slice %arg8[%add3A_138, %dma_start3A_151] : memref<10000x128xf32, #tpu.memory_space<vmem_shared>> -> memref<128x128xf32, #tpu.memory_space<vmem_shared>>
        %dma_start3A_153 = arith.constant 0 : i32
        %dma_start3A_154 = tpu.memref_slice %arg8[%add3A_138, %dma_start3A_153] : memref<10000x128xf32, #tpu.memory_space<vmem_shared>> -> memref<128x128xf32, #tpu.memory_space<vmem_shared>>
        %dma_start3A_155 = arith.constant 0 : i32
        %dma_start3A_156 = arith.constant 0 : i32
        %dma_start3A_157 = tpu.memref_slice %arg7[%run_scoped3A_139, %dma_start3A_155, %dma_start3A_156] : memref<2x128x128xf32, #tpu.memory_space<vmem>> -> memref<1x128x128xf32, #tpu.memory_space<vmem>>
        %dma_start3A_158 = tpu.memref_squeeze %dma_start3A_157 : memref<1x128x128xf32, #tpu.memory_space<vmem>> -> memref<128x128xf32, #tpu.memory_space<vmem>>
        tpu.enqueue_dma source(%dma_start3A_158 : memref<128x128xf32, #tpu.memory_space<vmem>>) target(%dma_start3A_154 : memref<128x128xf32, #tpu.memory_space<vmem_shared>>) target_semaphore(%run_scoped3A_146 : memref<!tpu.dma_semaphore, #tpu.memory_space<semaphore_mem>>)
        %dma_wait3A_159 = arith.constant 0 : i32
        %dma_wait3A_160 = arith.constant 0 : i32
        %dma_wait3A_161 = tpu.memref_slice %arg7[%run_scoped3A_139, %dma_wait3A_159, %dma_wait3A_160] : memref<2x128x128xf32, #tpu.memory_space<vmem>> -> memref<1x128x128xf32, #tpu.memory_space<vmem>>
        %dma_wait3A_162 = tpu.memref_squeeze %dma_wait3A_161 : memref<1x128x128xf32, #tpu.memory_space<vmem>> -> memref<128x128xf32, #tpu.memory_space<vmem>>
        %dma_wait3A_163 = arith.constant 0 : i32
        %dma_wait3A_164 = tpu.memref_slice %arg8[%add3A_138, %dma_wait3A_163] : memref<10000x128xf32, #tpu.memory_space<vmem_shared>> -> memref<128x128xf32, #tpu.memory_space<vmem_shared>>
        %dma_wait3A_165 = arith.constant 0 : i32
        %dma_wait3A_166 = tpu.memref_slice %arg8[%add3A_138, %dma_wait3A_165] : memref<10000x128xf32, #tpu.memory_space<vmem_shared>> -> memref<128x128xf32, #tpu.memory_space<vmem_shared>>
        %dma_wait3A_167 = arith.constant 0 : i32
        %dma_wait3A_168 = arith.constant 0 : i32
        %dma_wait3A_169 = tpu.memref_slice %arg7[%run_scoped3A_139, %dma_wait3A_167, %dma_wait3A_168] : memref<2x128x128xf32, #tpu.memory_space<vmem>> -> memref<1x128x128xf32, #tpu.memory_space<vmem>>
        %dma_wait3A_170 = tpu.memref_squeeze %dma_wait3A_169 : memref<1x128x128xf32, #tpu.memory_space<vmem>> -> memref<128x128xf32, #tpu.memory_space<vmem>>
        tpu.wait_dma2 semaphore(%run_scoped3A_146 : memref<!tpu.dma_semaphore, #tpu.memory_space<semaphore_mem>>) src(%dma_wait3A_170 : memref<128x128xf32, #tpu.memory_space<vmem>>) dst(%dma_wait3A_166 : memref<128x128xf32, #tpu.memory_space<vmem_shared>>)
        tpu.yield
      }) : () -> ()
      %add3A_140 = arith.constant 384 : i32
      %add3A_141 = arith.addi %mul3A_28, %add3A_140 : i32
      %run_scoped3A_142 = arith.constant 0 : i32
      "tpu.region"() ({
        %run_scoped3A_146 = tpu.sem_alloc : memref<!tpu.dma_semaphore, #tpu.memory_space<semaphore_mem>>
        %dma_start3A_147 = arith.constant 0 : i32
        %dma_start3A_148 = arith.constant 0 : i32
        %dma_start3A_149 = tpu.memref_slice %arg7[%run_scoped3A_142, %dma_start3A_147, %dma_start3A_148] : memref<2x128x128xf32, #tpu.memory_space<vmem>> -> memref<1x128x128xf32, #tpu.memory_space<vmem>>
        %dma_start3A_150 = tpu.memref_squeeze %dma_start3A_149 : memref<1x128x128xf32, #tpu.memory_space<vmem>> -> memref<128x128xf32, #tpu.memory_space<vmem>>
        %dma_start3A_151 = arith.constant 0 : i32
        %dma_start3A_152 = tpu.memref_slice %arg8[%add3A_141, %dma_start3A_151] : memref<10000x128xf32, #tpu.memory_space<vmem_shared>> -> memref<128x128xf32, #tpu.memory_space<vmem_shared>>
        %dma_start3A_153 = arith.constant 0 : i32
        %dma_start3A_154 = tpu.memref_slice %arg8[%add3A_141, %dma_start3A_153] : memref<10000x128xf32, #tpu.memory_space<vmem_shared>> -> memref<128x128xf32, #tpu.memory_space<vmem_shared>>
        %dma_start3A_155 = arith.constant 0 : i32
        %dma_start3A_156 = arith.constant 0 : i32
        %dma_start3A_157 = tpu.memref_slice %arg7[%run_scoped3A_142, %dma_start3A_155, %dma_start3A_156] : memref<2x128x128xf32, #tpu.memory_space<vmem>> -> memref<1x128x128xf32, #tpu.memory_space<vmem>>
        %dma_start3A_158 = tpu.memref_squeeze %dma_start3A_157 : memref<1x128x128xf32, #tpu.memory_space<vmem>> -> memref<128x128xf32, #tpu.memory_space<vmem>>
        tpu.enqueue_dma source(%dma_start3A_158 : memref<128x128xf32, #tpu.memory_space<vmem>>) target(%dma_start3A_154 : memref<128x128xf32, #tpu.memory_space<vmem_shared>>) target_semaphore(%run_scoped3A_146 : memref<!tpu.dma_semaphore, #tpu.memory_space<semaphore_mem>>)
        %dma_wait3A_159 = arith.constant 0 : i32
        %dma_wait3A_160 = arith.constant 0 : i32
        %dma_wait3A_161 = tpu.memref_slice %arg7[%run_scoped3A_142, %dma_wait3A_159, %dma_wait3A_160] : memref<2x128x128xf32, #tpu.memory_space<vmem>> -> memref<1x128x128xf32, #tpu.memory_space<vmem>>
        %dma_wait3A_162 = tpu.memref_squeeze %dma_wait3A_161 : memref<1x128x128xf32, #tpu.memory_space<vmem>> -> memref<128x128xf32, #tpu.memory_space<vmem>>
        %dma_wait3A_163 = arith.constant 0 : i32
        %dma_wait3A_164 = tpu.memref_slice %arg8[%add3A_141, %dma_wait3A_163] : memref<10000x128xf32, #tpu.memory_space<vmem_shared>> -> memref<128x128xf32, #tpu.memory_space<vmem_shared>>
        %dma_wait3A_165 = arith.constant 0 : i32
        %dma_wait3A_166 = tpu.memref_slice %arg8[%add3A_141, %dma_wait3A_165] : memref<10000x128xf32, #tpu.memory_space<vmem_shared>> -> memref<128x128xf32, #tpu.memory_space<vmem_shared>>
        %dma_wait3A_167 = arith.constant 0 : i32
        %dma_wait3A_168 = arith.constant 0 : i32
        %dma_wait3A_169 = tpu.memref_slice %arg7[%run_scoped3A_142, %dma_wait3A_167, %dma_wait3A_168] : memref<2x128x128xf32, #tpu.memory_space<vmem>> -> memref<1x128x128xf32, #tpu.memory_space<vmem>>
        %dma_wait3A_170 = tpu.memref_squeeze %dma_wait3A_169 : memref<1x128x128xf32, #tpu.memory_space<vmem>> -> memref<128x128xf32, #tpu.memory_space<vmem>>
        tpu.wait_dma2 semaphore(%run_scoped3A_146 : memref<!tpu.dma_semaphore, #tpu.memory_space<semaphore_mem>>) src(%dma_wait3A_170 : memref<128x128xf32, #tpu.memory_space<vmem>>) dst(%dma_wait3A_166 : memref<128x128xf32, #tpu.memory_space<vmem_shared>>)
        tpu.yield
      }) : () -> ()
      %add3A_143 = arith.constant 512 : i32
      %add3A_144 = arith.addi %mul3A_28, %add3A_143 : i32
      %run_scoped3A_145 = arith.constant 0 : i32
      "tpu.region"() ({
        %run_scoped3A_146 = tpu.sem_alloc : memref<!tpu.dma_semaphore, #tpu.memory_space<semaphore_mem>>
        %dma_start3A_147 = arith.constant 0 : i32
        %dma_start3A_148 = arith.constant 0 : i32
        %dma_start3A_149 = tpu.memref_slice %arg7[%run_scoped3A_145, %dma_start3A_147, %dma_start3A_148] : memref<2x128x128xf32, #tpu.memory_space<vmem>> -> memref<1x8x128xf32, #tpu.memory_space<vmem>>
        %dma_start3A_150 = tpu.memref_squeeze %dma_start3A_149 : memref<1x8x128xf32, #tpu.memory_space<vmem>> -> memref<8x128xf32, #tpu.memory_space<vmem>>
        %dma_start3A_151 = arith.constant 0 : i32
        %dma_start3A_152 = tpu.memref_slice %arg8[%add3A_144, %dma_start3A_151] : memref<10000x128xf32, #tpu.memory_space<vmem_shared>> -> memref<8x128xf32, #tpu.memory_space<vmem_shared>>
        %dma_start3A_153 = arith.constant 0 : i32
        %dma_start3A_154 = tpu.memref_slice %arg8[%add3A_144, %dma_start3A_153] : memref<10000x128xf32, #tpu.memory_space<vmem_shared>> -> memref<8x128xf32, #tpu.memory_space<vmem_shared>>
        %dma_start3A_155 = arith.constant 0 : i32
        %dma_start3A_156 = arith.constant 0 : i32
        %dma_start3A_157 = tpu.memref_slice %arg7[%run_scoped3A_145, %dma_start3A_155, %dma_start3A_156] : memref<2x128x128xf32, #tpu.memory_space<vmem>> -> memref<1x8x128xf32, #tpu.memory_space<vmem>>
        %dma_start3A_158 = tpu.memref_squeeze %dma_start3A_157 : memref<1x8x128xf32, #tpu.memory_space<vmem>> -> memref<8x128xf32, #tpu.memory_space<vmem>>
        tpu.enqueue_dma source(%dma_start3A_158 : memref<8x128xf32, #tpu.memory_space<vmem>>) target(%dma_start3A_154 : memref<8x128xf32, #tpu.memory_space<vmem_shared>>) target_semaphore(%run_scoped3A_146 : memref<!tpu.dma_semaphore, #tpu.memory_space<semaphore_mem>>)
        %dma_wait3A_159 = arith.constant 0 : i32
        %dma_wait3A_160 = arith.constant 0 : i32
        %dma_wait3A_161 = tpu.memref_slice %arg7[%run_scoped3A_145, %dma_wait3A_159, %dma_wait3A_160] : memref<2x128x128xf32, #tpu.memory_space<vmem>> -> memref<1x8x128xf32, #tpu.memory_space<vmem>>
        %dma_wait3A_162 = tpu.memref_squeeze %dma_wait3A_161 : memref<1x8x128xf32, #tpu.memory_space<vmem>> -> memref<8x128xf32, #tpu.memory_space<vmem>>
        %dma_wait3A_163 = arith.constant 0 : i32
        %dma_wait3A_164 = tpu.memref_slice %arg8[%add3A_144, %dma_wait3A_163] : memref<10000x128xf32, #tpu.memory_space<vmem_shared>> -> memref<8x128xf32, #tpu.memory_space<vmem_shared>>
        %dma_wait3A_165 = arith.constant 0 : i32
        %dma_wait3A_166 = tpu.memref_slice %arg8[%add3A_144, %dma_wait3A_165] : memref<10000x128xf32, #tpu.memory_space<vmem_shared>> -> memref<8x128xf32, #tpu.memory_space<vmem_shared>>
        %dma_wait3A_167 = arith.constant 0 : i32
        %dma_wait3A_168 = arith.constant 0 : i32
        %dma_wait3A_169 = tpu.memref_slice %arg7[%run_scoped3A_145, %dma_wait3A_167, %dma_wait3A_168] : memref<2x128x128xf32, #tpu.memory_space<vmem>> -> memref<1x8x128xf32, #tpu.memory_space<vmem>>
        %dma_wait3A_170 = tpu.memref_squeeze %dma_wait3A_169 : memref<1x8x128xf32, #tpu.memory_space<vmem>> -> memref<8x128xf32, #tpu.memory_space<vmem>>
        tpu.wait_dma2 semaphore(%run_scoped3A_146 : memref<!tpu.dma_semaphore, #tpu.memory_space<semaphore_mem>>) src(%dma_wait3A_170 : memref<8x128xf32, #tpu.memory_space<vmem>>) dst(%dma_wait3A_166 : memref<8x128xf32, #tpu.memory_space<vmem_shared>>)
        tpu.yield
      }) : () -> ()
    } else {
    }
    %barrier3A = arith.constant 0 : index
    tpu.barrier barrier_id(%barrier3A)
    %dma_wait3A = arith.constant 0 : i32
    %dma_wait3A_36 = arith.constant 0 : i32
    %dma_wait3A_37 = arith.constant 0 : i32
    %dma_wait3A_38 = tpu.memref_slice %arg5[%dma_wait3A, %dma_wait3A_36, %dma_wait3A_37] : memref<4x3x128xi32, #tpu.memory_space<vmem>> -> memref<1x3x128xi32, #tpu.memory_space<vmem>>
    %dma_wait3A_39 = tpu.memref_squeeze %dma_wait3A_38 : memref<1x3x128xi32, #tpu.memory_space<vmem>> -> memref<3x128xi32, #tpu.memory_space<vmem>>
    %dma_wait3A_40 = arith.constant 0 : i32
    %dma_wait3A_41 = arith.constant 0 : i32
    %dma_wait3A_42 = tpu.memref_slice %arg3[%add3A_7, %dma_wait3A_40, %dma_wait3A_41] : memref<2528x3x128xi32, #tpu.memory_space<hbm>> -> memref<1x3x128xi32, #tpu.memory_space<hbm>>
    %dma_wait3A_43 = tpu.memref_squeeze %dma_wait3A_42 : memref<1x3x128xi32, #tpu.memory_space<hbm>> -> memref<3x128xi32, #tpu.memory_space<hbm>>
    %dma_wait3A_44 = arith.constant 0 : i32
    %dma_wait3A_45 = arith.constant 0 : i32
    %dma_wait3A_46 = tpu.memref_slice %arg5[%dma_wait3A, %dma_wait3A_44, %dma_wait3A_45] : memref<4x3x128xi32, #tpu.memory_space<vmem>> -> memref<1x3x128xi32, #tpu.memory_space<vmem>>
    %dma_wait3A_47 = tpu.memref_squeeze %dma_wait3A_46 : memref<1x3x128xi32, #tpu.memory_space<vmem>> -> memref<3x128xi32, #tpu.memory_space<vmem>>
    %dma_wait3A_48 = arith.constant 0 : i32
    %dma_wait3A_49 = arith.constant 0 : i32
    %dma_wait3A_50 = tpu.memref_slice %arg3[%add3A_7, %dma_wait3A_48, %dma_wait3A_49] : memref<2528x3x128xi32, #tpu.memory_space<hbm>> -> memref<1x3x128xi32, #tpu.memory_space<hbm>>
    %dma_wait3A_51 = tpu.memref_squeeze %dma_wait3A_50 : memref<1x3x128xi32, #tpu.memory_space<hbm>> -> memref<3x128xi32, #tpu.memory_space<hbm>>
    tpu.wait_dma2 semaphore(%arg9 : memref<!tpu.dma_semaphore, #tpu.memory_space<semaphore_mem>>) src(%dma_wait3A_51 : memref<3x128xi32, #tpu.memory_space<hbm>>) dst(%dma_wait3A_47 : memref<3x128xi32, #tpu.memory_space<vmem>>)
    %dma_start3A_52 = arith.constant 0 : i32
    %dma_start3A_53 = arith.constant 0 : i32
    %dma_start3A_54 = arith.constant 0 : i32
    %dma_start3A_55 = arith.constant 0 : i32
    %dma_start3A_56 = arith.constant 0 : i32
    %dma_start3A_57 = tpu.memref_slice %arg6[%dma_start3A_54, %dma_start3A_55, %dma_start3A_56] : memref<2x128x64xi32, #tpu.memory_space<vmem>> -> memref<1x128x64xi32, #tpu.memory_space<vmem>>
    %dma_start3A_58 = tpu.memref_squeeze %dma_start3A_57 : memref<1x128x64xi32, #tpu.memory_space<vmem>> -> memref<128x64xi32, #tpu.memory_space<vmem>>
    %dma_start3A_59 = arith.constant 0 : i32
    %dma_start3A_60 = tpu.memref_slice %arg5[%dma_start3A_52, %dma_start3A_53, %dma_start3A_59] : memref<4x3x128xi32, #tpu.memory_space<vmem>> -> memref<1x1x128xi32, #tpu.memory_space<vmem>>
    %dma_start3A_61 = tpu.memref_squeeze %dma_start3A_60 : memref<1x1x128xi32, #tpu.memory_space<vmem>> -> memref<128xi32, #tpu.memory_space<vmem>>
    %dma_start3A_62 = arith.constant 0 : i32
    %dma_start3A_63 = arith.constant 0 : i32
    %dma_start3A_64 = tpu.memref_slice %arg2[%dma_start3A_62, %dma_start3A_63] : memref<10000x64xi32, #tpu.memory_space<hbm>> -> memref<10000x64xi32, #tpu.memory_space<hbm>>
    tpu.enqueue_indirect_dma source(%dma_start3A_64 : memref<10000x64xi32, #tpu.memory_space<hbm>>) target(%dma_start3A_58 : memref<128x64xi32, #tpu.memory_space<vmem>>) offsets(%dma_start3A_61 : memref<128xi32, #tpu.memory_space<vmem>>) semaphore(%arg10 : memref<!tpu.dma_semaphore, #tpu.memory_space<semaphore_mem>>)
    %add3A_65 = arith.constant 1 : i32
    %add3A_66 = arith.addi %add3A_7, %add3A_65 : i32
    %dma_start3A_67 = arith.constant 1 : i32
    %dma_start3A_68 = arith.constant 0 : i32
    %dma_start3A_69 = arith.constant 0 : i32
    %dma_start3A_70 = tpu.memref_slice %arg5[%dma_start3A_67, %dma_start3A_68, %dma_start3A_69] : memref<4x3x128xi32, #tpu.memory_space<vmem>> -> memref<1x3x128xi32, #tpu.memory_space<vmem>>
    %dma_start3A_71 = tpu.memref_squeeze %dma_start3A_70 : memref<1x3x128xi32, #tpu.memory_space<vmem>> -> memref<3x128xi32, #tpu.memory_space<vmem>>
    %dma_start3A_72 = arith.constant 0 : i32
    %dma_start3A_73 = arith.constant 0 : i32
    %dma_start3A_74 = tpu.memref_slice %arg3[%add3A_66, %dma_start3A_72, %dma_start3A_73] : memref<2528x3x128xi32, #tpu.memory_space<hbm>> -> memref<1x3x128xi32, #tpu.memory_space<hbm>>
    %dma_start3A_75 = tpu.memref_squeeze %dma_start3A_74 : memref<1x3x128xi32, #tpu.memory_space<hbm>> -> memref<3x128xi32, #tpu.memory_space<hbm>>
    %dma_start3A_76 = arith.constant 0 : i32
    %dma_start3A_77 = arith.constant 0 : i32
    %dma_start3A_78 = tpu.memref_slice %arg5[%dma_start3A_67, %dma_start3A_76, %dma_start3A_77] : memref<4x3x128xi32, #tpu.memory_space<vmem>> -> memref<1x3x128xi32, #tpu.memory_space<vmem>>
    %dma_start3A_79 = tpu.memref_squeeze %dma_start3A_78 : memref<1x3x128xi32, #tpu.memory_space<vmem>> -> memref<3x128xi32, #tpu.memory_space<vmem>>
    %dma_start3A_80 = arith.constant 0 : i32
    %dma_start3A_81 = arith.constant 0 : i32
    %dma_start3A_82 = tpu.memref_slice %arg3[%add3A_66, %dma_start3A_80, %dma_start3A_81] : memref<2528x3x128xi32, #tpu.memory_space<hbm>> -> memref<1x3x128xi32, #tpu.memory_space<hbm>>
    %dma_start3A_83 = tpu.memref_squeeze %dma_start3A_82 : memref<1x3x128xi32, #tpu.memory_space<hbm>> -> memref<3x128xi32, #tpu.memory_space<hbm>>
    tpu.enqueue_dma source(%dma_start3A_83 : memref<3x128xi32, #tpu.memory_space<hbm>>) target(%dma_start3A_79 : memref<3x128xi32, #tpu.memory_space<vmem>>) target_semaphore(%arg9 : memref<!tpu.dma_semaphore, #tpu.memory_space<semaphore_mem>>)
    %while3A = arith.constant 0 : i32
    %while3A_84 = arith.constant 0 : i32
    %while3A_85 = arith.subi %select_n3A, %while3A : i32
    %while3A_86 = arith.addi %while3A, %while3A_85 : i32
    %while3A_87 = arith.constant 1 : i32
    %while3A_88 = arith.divsi %while3A_85, %while3A_87 : i32
    %while3A_89 = arith.muli %while3A_88, %while3A_87 : i32
    %while3A_90 = arith.addi %while3A, %while3A_89 : i32
    %while3A_91 = arith.constant 1 : i32
    %while3A_92 = scf.for %while3A_132 = %while3A to %while3A_90 step %while3A_91 iter_args(%while3A_133 = %while3A_84) -> (i32)  : i32 {
      %and3A = arith.constant 1 : i32
      %and3A_134 = arith.andi %while3A_132, %and3A : i32
      %and3A_135 = arith.constant 3 : i32
      %and3A_136 = arith.andi %while3A_132, %and3A_135 : i32
      %dma_wait3A_137 = arith.constant 0 : i32
      %dma_wait3A_138 = arith.constant 0 : i32
      %dma_wait3A_139 = arith.constant 0 : i32
      %dma_wait3A_140 = tpu.memref_slice %arg6[%and3A_134, %dma_wait3A_138, %dma_wait3A_139] : memref<2x128x64xi32, #tpu.memory_space<vmem>> -> memref<1x128x64xi32, #tpu.memory_space<vmem>>
      %dma_wait3A_141 = tpu.memref_squeeze %dma_wait3A_140 : memref<1x128x64xi32, #tpu.memory_space<vmem>> -> memref<128x64xi32, #tpu.memory_space<vmem>>
      %dma_wait3A_142 = arith.constant 0 : i32
      %dma_wait3A_143 = tpu.memref_slice %arg5[%and3A_136, %dma_wait3A_137, %dma_wait3A_142] : memref<4x3x128xi32, #tpu.memory_space<vmem>> -> memref<1x1x128xi32, #tpu.memory_space<vmem>>
      %dma_wait3A_144 = tpu.memref_squeeze %dma_wait3A_143 : memref<1x1x128xi32, #tpu.memory_space<vmem>> -> memref<128xi32, #tpu.memory_space<vmem>>
      %dma_wait3A_145 = arith.constant 0 : i32
      %dma_wait3A_146 = arith.constant 0 : i32
      %dma_wait3A_147 = tpu.memref_slice %arg2[%dma_wait3A_145, %dma_wait3A_146] : memref<10000x64xi32, #tpu.memory_space<hbm>> -> memref<10000x64xi32, #tpu.memory_space<hbm>>
      tpu.wait_indirect_dma semaphore(%arg10 : memref<!tpu.dma_semaphore, #tpu.memory_space<semaphore_mem>>) src(%dma_wait3A_147 : memref<10000x64xi32, #tpu.memory_space<hbm>>) dst(%dma_wait3A_141 : memref<128x64xi32, #tpu.memory_space<vmem>>)
      %add3A_148 = arith.constant 1 : i32
      %add3A_149 = arith.addi %while3A_132, %add3A_148 : i32
      %lt3A_150 = arith.cmpi slt, %add3A_149, %select_n3A : i32
      %convert_element_type3A_151 = arith.extui %lt3A_150 : i1 to i32
      %cond3A_152 = arith.constant 0 : i32
      %cond3A_153 = arith.cmpi ne, %convert_element_type3A_151, %cond3A_152 : i32
      scf.if %cond3A_153 {
        %add3A_175 = arith.addi %add3A_7, %while3A_132 : i32
        %add3A_176 = arith.constant 1 : i32
        %add3A_177 = arith.addi %add3A_175, %add3A_176 : i32
        %add3A_178 = arith.constant 1 : i32
        %add3A_179 = arith.addi %while3A_132, %add3A_178 : i32
        %and3A_180 = arith.constant 3 : i32
        %and3A_181 = arith.andi %add3A_179, %and3A_180 : i32
        %dma_wait3A_182 = arith.constant 0 : i32
        %dma_wait3A_183 = arith.constant 0 : i32
        %dma_wait3A_184 = tpu.memref_slice %arg5[%and3A_181, %dma_wait3A_182, %dma_wait3A_183] : memref<4x3x128xi32, #tpu.memory_space<vmem>> -> memref<1x3x128xi32, #tpu.memory_space<vmem>>
        %dma_wait3A_185 = tpu.memref_squeeze %dma_wait3A_184 : memref<1x3x128xi32, #tpu.memory_space<vmem>> -> memref<3x128xi32, #tpu.memory_space<vmem>>
        %dma_wait3A_186 = arith.constant 0 : i32
        %dma_wait3A_187 = arith.constant 0 : i32
        %dma_wait3A_188 = tpu.memref_slice %arg3[%add3A_177, %dma_wait3A_186, %dma_wait3A_187] : memref<2528x3x128xi32, #tpu.memory_space<hbm>> -> memref<1x3x128xi32, #tpu.memory_space<hbm>>
        %dma_wait3A_189 = tpu.memref_squeeze %dma_wait3A_188 : memref<1x3x128xi32, #tpu.memory_space<hbm>> -> memref<3x128xi32, #tpu.memory_space<hbm>>
        %dma_wait3A_190 = arith.constant 0 : i32
        %dma_wait3A_191 = arith.constant 0 : i32
        %dma_wait3A_192 = tpu.memref_slice %arg5[%and3A_181, %dma_wait3A_190, %dma_wait3A_191] : memref<4x3x128xi32, #tpu.memory_space<vmem>> -> memref<1x3x128xi32, #tpu.memory_space<vmem>>
        %dma_wait3A_193 = tpu.memref_squeeze %dma_wait3A_192 : memref<1x3x128xi32, #tpu.memory_space<vmem>> -> memref<3x128xi32, #tpu.memory_space<vmem>>
        %dma_wait3A_194 = arith.constant 0 : i32
        %dma_wait3A_195 = arith.constant 0 : i32
        %dma_wait3A_196 = tpu.memref_slice %arg3[%add3A_177, %dma_wait3A_194, %dma_wait3A_195] : memref<2528x3x128xi32, #tpu.memory_space<hbm>> -> memref<1x3x128xi32, #tpu.memory_space<hbm>>
        %dma_wait3A_197 = tpu.memref_squeeze %dma_wait3A_196 : memref<1x3x128xi32, #tpu.memory_space<hbm>> -> memref<3x128xi32, #tpu.memory_space<hbm>>
        tpu.wait_dma2 semaphore(%arg9 : memref<!tpu.dma_semaphore, #tpu.memory_space<semaphore_mem>>) src(%dma_wait3A_197 : memref<3x128xi32, #tpu.memory_space<hbm>>) dst(%dma_wait3A_193 : memref<3x128xi32, #tpu.memory_space<vmem>>)
        %ge3A = arith.constant 1 : i32
        %ge3A_198 = arith.cmpi sge, %while3A_132, %ge3A : i32
        %convert_element_type3A_199 = arith.extui %ge3A_198 : i1 to i32
        %cond3A_200 = arith.constant 0 : i32
        %cond3A_201 = arith.cmpi ne, %convert_element_type3A_199, %cond3A_200 : i32
        scf.if %cond3A_201 {
          %sub3A_218 = arith.constant 1 : i32
          %sub3A_219 = arith.subi %sub3A_218, %and3A_134 : i32
          %sub3A_220 = arith.constant 1 : i32
          %sub3A_221 = arith.subi %while3A_132, %sub3A_220 : i32
          %and3A_222 = arith.constant 3 : i32
          %and3A_223 = arith.andi %sub3A_221, %and3A_222 : i32
          %dma_wait3A_224 = arith.constant 1 : i32
          %dma_wait3A_225 = arith.constant 0 : i32
          %dma_wait3A_226 = arith.constant 0 : i32
          %dma_wait3A_227 = tpu.memref_slice %arg7[%sub3A_219, %dma_wait3A_225, %dma_wait3A_226] : memref<2x128x128xf32, #tpu.memory_space<vmem>> -> memref<1x128x128xf32, #tpu.memory_space<vmem>>
          %dma_wait3A_228 = tpu.memref_squeeze %dma_wait3A_227 : memref<1x128x128xf32, #tpu.memory_space<vmem>> -> memref<128x128xf32, #tpu.memory_space<vmem>>
          %dma_wait3A_229 = arith.constant 0 : i32
          %dma_wait3A_230 = tpu.memref_slice %arg5[%and3A_223, %dma_wait3A_224, %dma_wait3A_229] : memref<4x3x128xi32, #tpu.memory_space<vmem>> -> memref<1x1x128xi32, #tpu.memory_space<vmem>>
          %dma_wait3A_231 = tpu.memref_squeeze %dma_wait3A_230 : memref<1x1x128xi32, #tpu.memory_space<vmem>> -> memref<128xi32, #tpu.memory_space<vmem>>
          %dma_wait3A_232 = arith.constant 0 : i32
          %dma_wait3A_233 = arith.constant 0 : i32
          %dma_wait3A_234 = tpu.memref_slice %arg8[%dma_wait3A_232, %dma_wait3A_233] : memref<10000x128xf32, #tpu.memory_space<vmem_shared>> -> memref<10000x128xf32, #tpu.memory_space<vmem_shared>>
          tpu.wait_indirect_dma semaphore(%arg11 : memref<!tpu.dma_semaphore, #tpu.memory_space<semaphore_mem>>) src(%dma_wait3A_228 : memref<128x128xf32, #tpu.memory_space<vmem>>) dst(%dma_wait3A_234 : memref<10000x128xf32, #tpu.memory_space<vmem_shared>>)
        } else {
        }
        %add3A_202 = arith.constant 1 : i32
        %add3A_203 = arith.addi %while3A_132, %add3A_202 : i32
        %and3A_204 = arith.constant 3 : i32
        %and3A_205 = arith.andi %add3A_203, %and3A_204 : i32
        %sub3A = arith.constant 1 : i32
        %sub3A_206 = arith.subi %sub3A, %and3A_134 : i32
        %dma_start3A_207 = arith.constant 0 : i32
        %dma_start3A_208 = arith.constant 0 : i32
        %dma_start3A_209 = arith.constant 0 : i32
        %dma_start3A_210 = tpu.memref_slice %arg6[%sub3A_206, %dma_start3A_208, %dma_start3A_209] : memref<2x128x64xi32, #tpu.memory_space<vmem>> -> memref<1x128x64xi32, #tpu.memory_space<vmem>>
        %dma_start3A_211 = tpu.memref_squeeze %dma_start3A_210 : memref<1x128x64xi32, #tpu.memory_space<vmem>> -> memref<128x64xi32, #tpu.memory_space<vmem>>
        %dma_start3A_212 = arith.constant 0 : i32
        %dma_start3A_213 = tpu.memref_slice %arg5[%and3A_205, %dma_start3A_207, %dma_start3A_212] : memref<4x3x128xi32, #tpu.memory_space<vmem>> -> memref<1x1x128xi32, #tpu.memory_space<vmem>>
        %dma_start3A_214 = tpu.memref_squeeze %dma_start3A_213 : memref<1x1x128xi32, #tpu.memory_space<vmem>> -> memref<128xi32, #tpu.memory_space<vmem>>
        %dma_start3A_215 = arith.constant 0 : i32
        %dma_start3A_216 = arith.constant 0 : i32
        %dma_start3A_217 = tpu.memref_slice %arg2[%dma_start3A_215, %dma_start3A_216] : memref<10000x64xi32, #tpu.memory_space<hbm>> -> memref<10000x64xi32, #tpu.memory_space<hbm>>
        tpu.enqueue_indirect_dma source(%dma_start3A_217 : memref<10000x64xi32, #tpu.memory_space<hbm>>) target(%dma_start3A_211 : memref<128x64xi32, #tpu.memory_space<vmem>>) offsets(%dma_start3A_214 : memref<128xi32, #tpu.memory_space<vmem>>) semaphore(%arg10 : memref<!tpu.dma_semaphore, #tpu.memory_space<semaphore_mem>>)
      } else {
      }
      %add3A_154 = arith.constant 2 : i32
      %add3A_155 = arith.addi %while3A_132, %add3A_154 : i32
      %lt3A_156 = arith.cmpi slt, %add3A_155, %select_n3A : i32
      %convert_element_type3A_157 = arith.extui %lt3A_156 : i1 to i32
      %cond3A_158 = arith.constant 0 : i32
      %cond3A_159 = arith.cmpi ne, %convert_element_type3A_157, %cond3A_158 : i32
      scf.if %cond3A_159 {
        %add3A_175 = arith.addi %add3A_7, %while3A_132 : i32
        %add3A_176 = arith.constant 2 : i32
        %add3A_177 = arith.addi %add3A_175, %add3A_176 : i32
        %add3A_178 = arith.constant 2 : i32
        %add3A_179 = arith.addi %while3A_132, %add3A_178 : i32
        %and3A_180 = arith.constant 3 : i32
        %and3A_181 = arith.andi %add3A_179, %and3A_180 : i32
        %dma_start3A_182 = arith.constant 0 : i32
        %dma_start3A_183 = arith.constant 0 : i32
        %dma_start3A_184 = tpu.memref_slice %arg5[%and3A_181, %dma_start3A_182, %dma_start3A_183] : memref<4x3x128xi32, #tpu.memory_space<vmem>> -> memref<1x3x128xi32, #tpu.memory_space<vmem>>
        %dma_start3A_185 = tpu.memref_squeeze %dma_start3A_184 : memref<1x3x128xi32, #tpu.memory_space<vmem>> -> memref<3x128xi32, #tpu.memory_space<vmem>>
        %dma_start3A_186 = arith.constant 0 : i32
        %dma_start3A_187 = arith.constant 0 : i32
        %dma_start3A_188 = tpu.memref_slice %arg3[%add3A_177, %dma_start3A_186, %dma_start3A_187] : memref<2528x3x128xi32, #tpu.memory_space<hbm>> -> memref<1x3x128xi32, #tpu.memory_space<hbm>>
        %dma_start3A_189 = tpu.memref_squeeze %dma_start3A_188 : memref<1x3x128xi32, #tpu.memory_space<hbm>> -> memref<3x128xi32, #tpu.memory_space<hbm>>
        %dma_start3A_190 = arith.constant 0 : i32
        %dma_start3A_191 = arith.constant 0 : i32
        %dma_start3A_192 = tpu.memref_slice %arg5[%and3A_181, %dma_start3A_190, %dma_start3A_191] : memref<4x3x128xi32, #tpu.memory_space<vmem>> -> memref<1x3x128xi32, #tpu.memory_space<vmem>>
        %dma_start3A_193 = tpu.memref_squeeze %dma_start3A_192 : memref<1x3x128xi32, #tpu.memory_space<vmem>> -> memref<3x128xi32, #tpu.memory_space<vmem>>
        %dma_start3A_194 = arith.constant 0 : i32
        %dma_start3A_195 = arith.constant 0 : i32
        %dma_start3A_196 = tpu.memref_slice %arg3[%add3A_177, %dma_start3A_194, %dma_start3A_195] : memref<2528x3x128xi32, #tpu.memory_space<hbm>> -> memref<1x3x128xi32, #tpu.memory_space<hbm>>
        %dma_start3A_197 = tpu.memref_squeeze %dma_start3A_196 : memref<1x3x128xi32, #tpu.memory_space<hbm>> -> memref<3x128xi32, #tpu.memory_space<hbm>>
        tpu.enqueue_dma source(%dma_start3A_197 : memref<3x128xi32, #tpu.memory_space<hbm>>) target(%dma_start3A_193 : memref<3x128xi32, #tpu.memory_space<vmem>>) target_semaphore(%arg9 : memref<!tpu.dma_semaphore, #tpu.memory_space<semaphore_mem>>)
      } else {
      }
      %parallel_loop3A_160 = arith.constant 0 : i32
      %parallel_loop3A_161 = arith.constant 128 : i32
      %parallel_loop3A_162 = arith.constant 1 : i32
      scf.for %parallel_loop3A_175 = %parallel_loop3A_160 to %parallel_loop3A_161 step %parallel_loop3A_162  : i32 {
        %parallel_loop3A_176 = arith.constant 16 : i32
        %parallel_loop3A_177 = arith.divsi %parallel_loop3A_175, %parallel_loop3A_176 : i32
        %parallel_loop3A_178 = arith.constant 0 : i32
        %parallel_loop3A_179 = arith.cmpi sgt, %parallel_loop3A_175, %parallel_loop3A_178 : i32
        %parallel_loop3A_180 = arith.extui %parallel_loop3A_179 : i1 to i32
        %parallel_loop3A_181 = arith.constant 0 : i32
        %parallel_loop3A_182 = arith.cmpi slt, %parallel_loop3A_175, %parallel_loop3A_181 : i32
        %parallel_loop3A_183 = arith.extui %parallel_loop3A_182 : i1 to i32
        %parallel_loop3A_184 = arith.subi %parallel_loop3A_180, %parallel_loop3A_183 : i32
        %parallel_loop3A_185 = arith.constant 0 : i32
        %parallel_loop3A_186 = arith.cmpi sgt, %parallel_loop3A_176, %parallel_loop3A_185 : i32
        %parallel_loop3A_187 = arith.extui %parallel_loop3A_186 : i1 to i32
        %parallel_loop3A_188 = arith.constant 0 : i32
        %parallel_loop3A_189 = arith.cmpi slt, %parallel_loop3A_176, %parallel_loop3A_188 : i32
        %parallel_loop3A_190 = arith.extui %parallel_loop3A_189 : i1 to i32
        %parallel_loop3A_191 = arith.subi %parallel_loop3A_187, %parallel_loop3A_190 : i32
        %parallel_loop3A_192 = arith.cmpi ne, %parallel_loop3A_184, %parallel_loop3A_191 : i32
        %parallel_loop3A_193 = arith.remsi %parallel_loop3A_175, %parallel_loop3A_176 : i32
        %parallel_loop3A_194 = arith.constant 0 : i32
        %parallel_loop3A_195 = arith.cmpi ne, %parallel_loop3A_193, %parallel_loop3A_194 : i32
        %parallel_loop3A_196 = arith.andi %parallel_loop3A_192, %parallel_loop3A_195 : i1
        %parallel_loop3A_197 = arith.constant 1 : i32
        %parallel_loop3A_198 = arith.subi %parallel_loop3A_177, %parallel_loop3A_197 : i32
        %parallel_loop3A_199 = arith.select %parallel_loop3A_196, %parallel_loop3A_198, %parallel_loop3A_177 : i32
        %parallel_loop3A_200 = arith.constant 16 : i32
        %parallel_loop3A_201 = arith.muli %parallel_loop3A_199, %parallel_loop3A_200 : i32
        %parallel_loop3A_202 = arith.constant 2 : i32
        %parallel_loop3A_203 = arith.index_cast %and3A_136 : i32 to index
        %parallel_loop3A_204 = arith.index_cast %parallel_loop3A_202 : i32 to index
        %parallel_loop3A_205 = arith.index_cast %parallel_loop3A_201 : i32 to index
        %parallel_loop3A_206 = tpu.vector_load %arg5[%parallel_loop3A_203, %parallel_loop3A_204, %parallel_loop3A_205] {strides = array<i32>} : memref<4x3x128xi32, #tpu.memory_space<vmem>>, vector<1x1x16xi32>,
        %parallel_loop3A_207 = vector.shape_cast %parallel_loop3A_206 : vector<1x1x16xi32> to vector<16xi32>
        %parallel_loop3A_208 = tpu.bitcast %parallel_loop3A_207 : vector<16xi32> -> vector<16xf32>
        %parallel_loop3A_209 = arith.constant 16 : i32
        %parallel_loop3A_210 = arith.constant 0 : i32
        %parallel_loop3A_211 = arith.cmpi eq, %parallel_loop3A_209, %parallel_loop3A_210 : i32
        %parallel_loop3A_212 = arith.constant 1 : i32
        %parallel_loop3A_213 = arith.select %parallel_loop3A_211, %parallel_loop3A_212, %parallel_loop3A_209 : i32
        %parallel_loop3A_214 = arith.remsi %parallel_loop3A_175, %parallel_loop3A_213 : i32
        %parallel_loop3A_215 = arith.constant 0 : i32
        %parallel_loop3A_216 = arith.cmpi ne, %parallel_loop3A_214, %parallel_loop3A_215 : i32
        %parallel_loop3A_217 = arith.constant 0 : i32
        %parallel_loop3A_218 = arith.cmpi slt, %parallel_loop3A_214, %parallel_loop3A_217 : i32
        %parallel_loop3A_219 = arith.constant 0 : i32
        %parallel_loop3A_220 = arith.cmpi slt, %parallel_loop3A_213, %parallel_loop3A_219 : i32
        %parallel_loop3A_221 = arith.xori %parallel_loop3A_218, %parallel_loop3A_220 : i1
        %parallel_loop3A_222 = arith.andi %parallel_loop3A_221, %parallel_loop3A_216 : i1
        %parallel_loop3A_223 = arith.addi %parallel_loop3A_214, %parallel_loop3A_213 : i32
        %parallel_loop3A_224 = arith.select %parallel_loop3A_222, %parallel_loop3A_223, %parallel_loop3A_214 : i32
        %parallel_loop3A_225 = vector.broadcast %parallel_loop3A_224 : i32 to vector<16xi32>
        %parallel_loop3A_226 = arith.constant 0 : i32
        %parallel_loop3A_227 = vector.broadcast %parallel_loop3A_226 : i32 to vector<16xi32>
        %parallel_loop3A_228 = arith.cmpi slt, %parallel_loop3A_225, %parallel_loop3A_227 : vector<16xi32>
        %parallel_loop3A_229 = arith.constant 16 : i32
        %parallel_loop3A_230 = vector.broadcast %parallel_loop3A_229 : i32 to vector<16xi32>
        %parallel_loop3A_231 = arith.addi %parallel_loop3A_225, %parallel_loop3A_230 : vector<16xi32>
        %parallel_loop3A_232 = arith.select %parallel_loop3A_228, %parallel_loop3A_231, %parallel_loop3A_225 : vector<16xi1>, vector<16xi32>
        %parallel_loop3A_233 = vector.shape_cast %parallel_loop3A_232 : vector<16xi32> to vector<16x1xi32>
        %parallel_loop3A_234 = vector.shape_cast %parallel_loop3A_233 : vector<16x1xi32> to vector<16xi32>
        %parallel_loop3A_235 = tpu.dynamic_gather %parallel_loop3A_208[%parallel_loop3A_234] in [0] : vector<16xf32>, vector<16xi32> -> vector<16xf32>
        %parallel_loop3A_236 = arith.index_cast %and3A_134 : i32 to index
        %parallel_loop3A_237 = arith.index_cast %parallel_loop3A_175 : i32 to index
        %parallel_loop3A_238 = arith.constant 0 : index
        %parallel_loop3A_239 = tpu.vector_load %arg6[%parallel_loop3A_236, %parallel_loop3A_237, %parallel_loop3A_238] {strides = array<i32>} : memref<2x128x64xi32, #tpu.memory_space<vmem>>, vector<1x1x16xi32>,
        %parallel_loop3A_240 = vector.shape_cast %parallel_loop3A_239 : vector<1x1x16xi32> to vector<16xi32>
        %parallel_loop3A_241 = arith.constant 16 : i32
        %parallel_loop3A_242 = vector.broadcast %parallel_loop3A_241 : i32 to vector<16xi32>
        %parallel_loop3A_243 = arith.shli %parallel_loop3A_240, %parallel_loop3A_242 : vector<16xi32>
        %parallel_loop3A_244 = tpu.bitcast %parallel_loop3A_243 : vector<16xi32> -> vector<16xf32>
        %parallel_loop3A_245 = arith.constant -65536 : i32
        %parallel_loop3A_246 = vector.broadcast %parallel_loop3A_245 : i32 to vector<16xi32>
        %parallel_loop3A_247 = arith.andi %parallel_loop3A_240, %parallel_loop3A_246 : vector<16xi32>
        %parallel_loop3A_248 = tpu.bitcast %parallel_loop3A_247 : vector<16xi32> -> vector<16xf32>
        %parallel_loop3A_249 = arith.mulf %parallel_loop3A_244, %parallel_loop3A_235 : vector<16xf32>
        %parallel_loop3A_250 = arith.index_cast %and3A_134 : i32 to index
        %parallel_loop3A_251 = arith.index_cast %parallel_loop3A_175 : i32 to index
        %parallel_loop3A_252 = arith.constant 0 : index
        %parallel_loop3A_253 = tpu.vector_load %arg7[%parallel_loop3A_250, %parallel_loop3A_251, %parallel_loop3A_252] {strides = array<i32>} : memref<2x128x128xf32, #tpu.memory_space<vmem>>, vector<1x1x16xf32>,
        %parallel_loop3A_254 = vector.shape_cast %parallel_loop3A_253 : vector<1x1x16xf32> to vector<16xf32>
        %parallel_loop3A_255 = vector.shape_cast %parallel_loop3A_249 : vector<16xf32> to vector<1x1x16xf32>
        tpu.vector_store %arg7[%parallel_loop3A_250, %parallel_loop3A_251, %parallel_loop3A_252], %parallel_loop3A_255 {strides = array<i32>} : memref<2x128x128xf32, #tpu.memory_space<vmem>>, vector<1x1x16xf32>,
        %parallel_loop3A_256 = arith.mulf %parallel_loop3A_248, %parallel_loop3A_235 : vector<16xf32>
        %parallel_loop3A_257 = arith.index_cast %and3A_134 : i32 to index
        %parallel_loop3A_258 = arith.index_cast %parallel_loop3A_175 : i32 to index
        %parallel_loop3A_259 = arith.constant 16 : index
        %parallel_loop3A_260 = tpu.vector_load %arg7[%parallel_loop3A_257, %parallel_loop3A_258, %parallel_loop3A_259] {strides = array<i32>} : memref<2x128x128xf32, #tpu.memory_space<vmem>>, vector<1x1x16xf32>,
        %parallel_loop3A_261 = vector.shape_cast %parallel_loop3A_260 : vector<1x1x16xf32> to vector<16xf32>
        %parallel_loop3A_262 = vector.shape_cast %parallel_loop3A_256 : vector<16xf32> to vector<1x1x16xf32>
        tpu.vector_store %arg7[%parallel_loop3A_257, %parallel_loop3A_258, %parallel_loop3A_259], %parallel_loop3A_262 {strides = array<i32>} : memref<2x128x128xf32, #tpu.memory_space<vmem>>, vector<1x1x16xf32>,
        %parallel_loop3A_263 = arith.index_cast %and3A_134 : i32 to index
        %parallel_loop3A_264 = arith.index_cast %parallel_loop3A_175 : i32 to index
        %parallel_loop3A_265 = arith.constant 16 : index
        %parallel_loop3A_266 = tpu.vector_load %arg6[%parallel_loop3A_263, %parallel_loop3A_264, %parallel_loop3A_265] {strides = array<i32>} : memref<2x128x64xi32, #tpu.memory_space<vmem>>, vector<1x1x16xi32>,
        %parallel_loop3A_267 = vector.shape_cast %parallel_loop3A_266 : vector<1x1x16xi32> to vector<16xi32>
        %parallel_loop3A_268 = arith.constant 16 : i32
        %parallel_loop3A_269 = vector.broadcast %parallel_loop3A_268 : i32 to vector<16xi32>
        %parallel_loop3A_270 = arith.shli %parallel_loop3A_267, %parallel_loop3A_269 : vector<16xi32>
        %parallel_loop3A_271 = tpu.bitcast %parallel_loop3A_270 : vector<16xi32> -> vector<16xf32>
        %parallel_loop3A_272 = arith.constant -65536 : i32
        %parallel_loop3A_273 = vector.broadcast %parallel_loop3A_272 : i32 to vector<16xi32>
        %parallel_loop3A_274 = arith.andi %parallel_loop3A_267, %parallel_loop3A_273 : vector<16xi32>
        %parallel_loop3A_275 = tpu.bitcast %parallel_loop3A_274 : vector<16xi32> -> vector<16xf32>
        %parallel_loop3A_276 = arith.mulf %parallel_loop3A_271, %parallel_loop3A_235 : vector<16xf32>
        %parallel_loop3A_277 = arith.index_cast %and3A_134 : i32 to index
        %parallel_loop3A_278 = arith.index_cast %parallel_loop3A_175 : i32 to index
        %parallel_loop3A_279 = arith.constant 32 : index
        %parallel_loop3A_280 = tpu.vector_load %arg7[%parallel_loop3A_277, %parallel_loop3A_278, %parallel_loop3A_279] {strides = array<i32>} : memref<2x128x128xf32, #tpu.memory_space<vmem>>, vector<1x1x16xf32>,
        %parallel_loop3A_281 = vector.shape_cast %parallel_loop3A_280 : vector<1x1x16xf32> to vector<16xf32>
        %parallel_loop3A_282 = vector.shape_cast %parallel_loop3A_276 : vector<16xf32> to vector<1x1x16xf32>
        tpu.vector_store %arg7[%parallel_loop3A_277, %parallel_loop3A_278, %parallel_loop3A_279], %parallel_loop3A_282 {strides = array<i32>} : memref<2x128x128xf32, #tpu.memory_space<vmem>>, vector<1x1x16xf32>,
        %parallel_loop3A_283 = arith.mulf %parallel_loop3A_275, %parallel_loop3A_235 : vector<16xf32>
        %parallel_loop3A_284 = arith.index_cast %and3A_134 : i32 to index
        %parallel_loop3A_285 = arith.index_cast %parallel_loop3A_175 : i32 to index
        %parallel_loop3A_286 = arith.constant 48 : index
        %parallel_loop3A_287 = tpu.vector_load %arg7[%parallel_loop3A_284, %parallel_loop3A_285, %parallel_loop3A_286] {strides = array<i32>} : memref<2x128x128xf32, #tpu.memory_space<vmem>>, vector<1x1x16xf32>,
        %parallel_loop3A_288 = vector.shape_cast %parallel_loop3A_287 : vector<1x1x16xf32> to vector<16xf32>
        %parallel_loop3A_289 = vector.shape_cast %parallel_loop3A_283 : vector<16xf32> to vector<1x1x16xf32>
        tpu.vector_store %arg7[%parallel_loop3A_284, %parallel_loop3A_285, %parallel_loop3A_286], %parallel_loop3A_289 {strides = array<i32>} : memref<2x128x128xf32, #tpu.memory_space<vmem>>, vector<1x1x16xf32>,
        %parallel_loop3A_290 = arith.index_cast %and3A_134 : i32 to index
        %parallel_loop3A_291 = arith.index_cast %parallel_loop3A_175 : i32 to index
        %parallel_loop3A_292 = arith.constant 32 : index
        %parallel_loop3A_293 = tpu.vector_load %arg6[%parallel_loop3A_290, %parallel_loop3A_291, %parallel_loop3A_292] {strides = array<i32>} : memref<2x128x64xi32, #tpu.memory_space<vmem>>, vector<1x1x16xi32>,
        %parallel_loop3A_294 = vector.shape_cast %parallel_loop3A_293 : vector<1x1x16xi32> to vector<16xi32>
        %parallel_loop3A_295 = arith.constant 16 : i32
        %parallel_loop3A_296 = vector.broadcast %parallel_loop3A_295 : i32 to vector<16xi32>
        %parallel_loop3A_297 = arith.shli %parallel_loop3A_294, %parallel_loop3A_296 : vector<16xi32>
        %parallel_loop3A_298 = tpu.bitcast %parallel_loop3A_297 : vector<16xi32> -> vector<16xf32>
        %parallel_loop3A_299 = arith.constant -65536 : i32
        %parallel_loop3A_300 = vector.broadcast %parallel_loop3A_299 : i32 to vector<16xi32>
        %parallel_loop3A_301 = arith.andi %parallel_loop3A_294, %parallel_loop3A_300 : vector<16xi32>
        %parallel_loop3A_302 = tpu.bitcast %parallel_loop3A_301 : vector<16xi32> -> vector<16xf32>
        %parallel_loop3A_303 = arith.mulf %parallel_loop3A_298, %parallel_loop3A_235 : vector<16xf32>
        %parallel_loop3A_304 = arith.index_cast %and3A_134 : i32 to index
        %parallel_loop3A_305 = arith.index_cast %parallel_loop3A_175 : i32 to index
        %parallel_loop3A_306 = arith.constant 64 : index
        %parallel_loop3A_307 = tpu.vector_load %arg7[%parallel_loop3A_304, %parallel_loop3A_305, %parallel_loop3A_306] {strides = array<i32>} : memref<2x128x128xf32, #tpu.memory_space<vmem>>, vector<1x1x16xf32>,
        %parallel_loop3A_308 = vector.shape_cast %parallel_loop3A_307 : vector<1x1x16xf32> to vector<16xf32>
        %parallel_loop3A_309 = vector.shape_cast %parallel_loop3A_303 : vector<16xf32> to vector<1x1x16xf32>
        tpu.vector_store %arg7[%parallel_loop3A_304, %parallel_loop3A_305, %parallel_loop3A_306], %parallel_loop3A_309 {strides = array<i32>} : memref<2x128x128xf32, #tpu.memory_space<vmem>>, vector<1x1x16xf32>,
        %parallel_loop3A_310 = arith.mulf %parallel_loop3A_302, %parallel_loop3A_235 : vector<16xf32>
        %parallel_loop3A_311 = arith.index_cast %and3A_134 : i32 to index
        %parallel_loop3A_312 = arith.index_cast %parallel_loop3A_175 : i32 to index
        %parallel_loop3A_313 = arith.constant 80 : index
        %parallel_loop3A_314 = tpu.vector_load %arg7[%parallel_loop3A_311, %parallel_loop3A_312, %parallel_loop3A_313] {strides = array<i32>} : memref<2x128x128xf32, #tpu.memory_space<vmem>>, vector<1x1x16xf32>,
        %parallel_loop3A_315 = vector.shape_cast %parallel_loop3A_314 : vector<1x1x16xf32> to vector<16xf32>
        %parallel_loop3A_316 = vector.shape_cast %parallel_loop3A_310 : vector<16xf32> to vector<1x1x16xf32>
        tpu.vector_store %arg7[%parallel_loop3A_311, %parallel_loop3A_312, %parallel_loop3A_313], %parallel_loop3A_316 {strides = array<i32>} : memref<2x128x128xf32, #tpu.memory_space<vmem>>, vector<1x1x16xf32>,
        %parallel_loop3A_317 = arith.index_cast %and3A_134 : i32 to index
        %parallel_loop3A_318 = arith.index_cast %parallel_loop3A_175 : i32 to index
        %parallel_loop3A_319 = arith.constant 48 : index
        %parallel_loop3A_320 = tpu.vector_load %arg6[%parallel_loop3A_317, %parallel_loop3A_318, %parallel_loop3A_319] {strides = array<i32>} : memref<2x128x64xi32, #tpu.memory_space<vmem>>, vector<1x1x16xi32>,
        %parallel_loop3A_321 = vector.shape_cast %parallel_loop3A_320 : vector<1x1x16xi32> to vector<16xi32>
        %parallel_loop3A_322 = arith.constant 16 : i32
        %parallel_loop3A_323 = vector.broadcast %parallel_loop3A_322 : i32 to vector<16xi32>
        %parallel_loop3A_324 = arith.shli %parallel_loop3A_321, %parallel_loop3A_323 : vector<16xi32>
        %parallel_loop3A_325 = tpu.bitcast %parallel_loop3A_324 : vector<16xi32> -> vector<16xf32>
        %parallel_loop3A_326 = arith.constant -65536 : i32
        %parallel_loop3A_327 = vector.broadcast %parallel_loop3A_326 : i32 to vector<16xi32>
        %parallel_loop3A_328 = arith.andi %parallel_loop3A_321, %parallel_loop3A_327 : vector<16xi32>
        %parallel_loop3A_329 = tpu.bitcast %parallel_loop3A_328 : vector<16xi32> -> vector<16xf32>
        %parallel_loop3A_330 = arith.mulf %parallel_loop3A_325, %parallel_loop3A_235 : vector<16xf32>
        %parallel_loop3A_331 = arith.index_cast %and3A_134 : i32 to index
        %parallel_loop3A_332 = arith.index_cast %parallel_loop3A_175 : i32 to index
        %parallel_loop3A_333 = arith.constant 96 : index
        %parallel_loop3A_334 = tpu.vector_load %arg7[%parallel_loop3A_331, %parallel_loop3A_332, %parallel_loop3A_333] {strides = array<i32>} : memref<2x128x128xf32, #tpu.memory_space<vmem>>, vector<1x1x16xf32>,
        %parallel_loop3A_335 = vector.shape_cast %parallel_loop3A_334 : vector<1x1x16xf32> to vector<16xf32>
        %parallel_loop3A_336 = vector.shape_cast %parallel_loop3A_330 : vector<16xf32> to vector<1x1x16xf32>
        tpu.vector_store %arg7[%parallel_loop3A_331, %parallel_loop3A_332, %parallel_loop3A_333], %parallel_loop3A_336 {strides = array<i32>} : memref<2x128x128xf32, #tpu.memory_space<vmem>>, vector<1x1x16xf32>,
        %parallel_loop3A_337 = arith.mulf %parallel_loop3A_329, %parallel_loop3A_235 : vector<16xf32>
        %parallel_loop3A_338 = arith.index_cast %and3A_134 : i32 to index
        %parallel_loop3A_339 = arith.index_cast %parallel_loop3A_175 : i32 to index
        %parallel_loop3A_340 = arith.constant 112 : index
        %parallel_loop3A_341 = tpu.vector_load %arg7[%parallel_loop3A_338, %parallel_loop3A_339, %parallel_loop3A_340] {strides = array<i32>} : memref<2x128x128xf32, #tpu.memory_space<vmem>>, vector<1x1x16xf32>,
        %parallel_loop3A_342 = vector.shape_cast %parallel_loop3A_341 : vector<1x1x16xf32> to vector<16xf32>
        %parallel_loop3A_343 = vector.shape_cast %parallel_loop3A_337 : vector<16xf32> to vector<1x1x16xf32>
        tpu.vector_store %arg7[%parallel_loop3A_338, %parallel_loop3A_339, %parallel_loop3A_340], %parallel_loop3A_343 {strides = array<i32>} : memref<2x128x128xf32, #tpu.memory_space<vmem>>, vector<1x1x16xf32>,
      } {sc.loop_unroll_factor = 4 : i64, sc.parallel_access}
      %dma_start3A_163 = arith.constant 1 : i32
      %dma_start3A_164 = arith.constant 0 : i32
      %dma_start3A_165 = arith.constant 0 : i32
      %dma_start3A_166 = tpu.memref_slice %arg7[%and3A_134, %dma_start3A_164, %dma_start3A_165] : memref<2x128x128xf32, #tpu.memory_space<vmem>> -> memref<1x128x128xf32, #tpu.memory_space<vmem>>
      %dma_start3A_167 = tpu.memref_squeeze %dma_start3A_166 : memref<1x128x128xf32, #tpu.memory_space<vmem>> -> memref<128x128xf32, #tpu.memory_space<vmem>>
      %dma_start3A_168 = arith.constant 0 : i32
      %dma_start3A_169 = tpu.memref_slice %arg5[%and3A_136, %dma_start3A_163, %dma_start3A_168] : memref<4x3x128xi32, #tpu.memory_space<vmem>> -> memref<1x1x128xi32, #tpu.memory_space<vmem>>
      %dma_start3A_170 = tpu.memref_squeeze %dma_start3A_169 : memref<1x1x128xi32, #tpu.memory_space<vmem>> -> memref<128xi32, #tpu.memory_space<vmem>>
      %dma_start3A_171 = arith.constant 0 : i32
      %dma_start3A_172 = arith.constant 0 : i32
      %dma_start3A_173 = tpu.memref_slice %arg8[%dma_start3A_171, %dma_start3A_172] : memref<10000x128xf32, #tpu.memory_space<vmem_shared>> -> memref<10000x128xf32, #tpu.memory_space<vmem_shared>>
      tpu.enqueue_indirect_dma source(%dma_start3A_167 : memref<128x128xf32, #tpu.memory_space<vmem>>) target(%dma_start3A_173 : memref<10000x128xf32, #tpu.memory_space<vmem_shared>>) offsets(%dma_start3A_170 : memref<128xi32, #tpu.memory_space<vmem>>) semaphore(%arg11 : memref<!tpu.dma_semaphore, #tpu.memory_space<semaphore_mem>>) {add = true}
      %while3A_174 = arith.constant 0 : i32
      scf.yield %while3A_174 : i32
    }
    %while3A_93 = arith.constant 1 : i32
    %while3A_94 = scf.for %while3A_132 = %while3A_90 to %while3A_86 step %while3A_93 iter_args(%while3A_133 = %while3A_92) -> (i32)  : i32 {
      %and3A = arith.constant 1 : i32
      %and3A_134 = arith.andi %while3A_132, %and3A : i32
      %and3A_135 = arith.constant 3 : i32
      %and3A_136 = arith.andi %while3A_132, %and3A_135 : i32
      %dma_wait3A_137 = arith.constant 0 : i32
      %dma_wait3A_138 = arith.constant 0 : i32
      %dma_wait3A_139 = arith.constant 0 : i32
      %dma_wait3A_140 = tpu.memref_slice %arg6[%and3A_134, %dma_wait3A_138, %dma_wait3A_139] : memref<2x128x64xi32, #tpu.memory_space<vmem>> -> memref<1x128x64xi32, #tpu.memory_space<vmem>>
      %dma_wait3A_141 = tpu.memref_squeeze %dma_wait3A_140 : memref<1x128x64xi32, #tpu.memory_space<vmem>> -> memref<128x64xi32, #tpu.memory_space<vmem>>
      %dma_wait3A_142 = arith.constant 0 : i32
      %dma_wait3A_143 = tpu.memref_slice %arg5[%and3A_136, %dma_wait3A_137, %dma_wait3A_142] : memref<4x3x128xi32, #tpu.memory_space<vmem>> -> memref<1x1x128xi32, #tpu.memory_space<vmem>>
      %dma_wait3A_144 = tpu.memref_squeeze %dma_wait3A_143 : memref<1x1x128xi32, #tpu.memory_space<vmem>> -> memref<128xi32, #tpu.memory_space<vmem>>
      %dma_wait3A_145 = arith.constant 0 : i32
      %dma_wait3A_146 = arith.constant 0 : i32
      %dma_wait3A_147 = tpu.memref_slice %arg2[%dma_wait3A_145, %dma_wait3A_146] : memref<10000x64xi32, #tpu.memory_space<hbm>> -> memref<10000x64xi32, #tpu.memory_space<hbm>>
      tpu.wait_indirect_dma semaphore(%arg10 : memref<!tpu.dma_semaphore, #tpu.memory_space<semaphore_mem>>) src(%dma_wait3A_147 : memref<10000x64xi32, #tpu.memory_space<hbm>>) dst(%dma_wait3A_141 : memref<128x64xi32, #tpu.memory_space<vmem>>)
      %add3A_148 = arith.constant 1 : i32
      %add3A_149 = arith.addi %while3A_132, %add3A_148 : i32
      %lt3A_150 = arith.cmpi slt, %add3A_149, %select_n3A : i32
      %convert_element_type3A_151 = arith.extui %lt3A_150 : i1 to i32
      %cond3A_152 = arith.constant 0 : i32
      %cond3A_153 = arith.cmpi ne, %convert_element_type3A_151, %cond3A_152 : i32
      scf.if %cond3A_153 {
        %add3A_175 = arith.addi %add3A_7, %while3A_132 : i32
        %add3A_176 = arith.constant 1 : i32
        %add3A_177 = arith.addi %add3A_175, %add3A_176 : i32
        %add3A_178 = arith.constant 1 : i32
        %add3A_179 = arith.addi %while3A_132, %add3A_178 : i32
        %and3A_180 = arith.constant 3 : i32
        %and3A_181 = arith.andi %add3A_179, %and3A_180 : i32
        %dma_wait3A_182 = arith.constant 0 : i32
        %dma_wait3A_183 = arith.constant 0 : i32
        %dma_wait3A_184 = tpu.memref_slice %arg5[%and3A_181, %dma_wait3A_182, %dma_wait3A_183] : memref<4x3x128xi32, #tpu.memory_space<vmem>> -> memref<1x3x128xi32, #tpu.memory_space<vmem>>
        %dma_wait3A_185 = tpu.memref_squeeze %dma_wait3A_184 : memref<1x3x128xi32, #tpu.memory_space<vmem>> -> memref<3x128xi32, #tpu.memory_space<vmem>>
        %dma_wait3A_186 = arith.constant 0 : i32
        %dma_wait3A_187 = arith.constant 0 : i32
        %dma_wait3A_188 = tpu.memref_slice %arg3[%add3A_177, %dma_wait3A_186, %dma_wait3A_187] : memref<2528x3x128xi32, #tpu.memory_space<hbm>> -> memref<1x3x128xi32, #tpu.memory_space<hbm>>
        %dma_wait3A_189 = tpu.memref_squeeze %dma_wait3A_188 : memref<1x3x128xi32, #tpu.memory_space<hbm>> -> memref<3x128xi32, #tpu.memory_space<hbm>>
        %dma_wait3A_190 = arith.constant 0 : i32
        %dma_wait3A_191 = arith.constant 0 : i32
        %dma_wait3A_192 = tpu.memref_slice %arg5[%and3A_181, %dma_wait3A_190, %dma_wait3A_191] : memref<4x3x128xi32, #tpu.memory_space<vmem>> -> memref<1x3x128xi32, #tpu.memory_space<vmem>>
        %dma_wait3A_193 = tpu.memref_squeeze %dma_wait3A_192 : memref<1x3x128xi32, #tpu.memory_space<vmem>> -> memref<3x128xi32, #tpu.memory_space<vmem>>
        %dma_wait3A_194 = arith.constant 0 : i32
        %dma_wait3A_195 = arith.constant 0 : i32
        %dma_wait3A_196 = tpu.memref_slice %arg3[%add3A_177, %dma_wait3A_194, %dma_wait3A_195] : memref<2528x3x128xi32, #tpu.memory_space<hbm>> -> memref<1x3x128xi32, #tpu.memory_space<hbm>>
        %dma_wait3A_197 = tpu.memref_squeeze %dma_wait3A_196 : memref<1x3x128xi32, #tpu.memory_space<hbm>> -> memref<3x128xi32, #tpu.memory_space<hbm>>
        tpu.wait_dma2 semaphore(%arg9 : memref<!tpu.dma_semaphore, #tpu.memory_space<semaphore_mem>>) src(%dma_wait3A_197 : memref<3x128xi32, #tpu.memory_space<hbm>>) dst(%dma_wait3A_193 : memref<3x128xi32, #tpu.memory_space<vmem>>)
        %ge3A = arith.constant 1 : i32
        %ge3A_198 = arith.cmpi sge, %while3A_132, %ge3A : i32
        %convert_element_type3A_199 = arith.extui %ge3A_198 : i1 to i32
        %cond3A_200 = arith.constant 0 : i32
        %cond3A_201 = arith.cmpi ne, %convert_element_type3A_199, %cond3A_200 : i32
        scf.if %cond3A_201 {
          %sub3A_218 = arith.constant 1 : i32
          %sub3A_219 = arith.subi %sub3A_218, %and3A_134 : i32
          %sub3A_220 = arith.constant 1 : i32
          %sub3A_221 = arith.subi %while3A_132, %sub3A_220 : i32
          %and3A_222 = arith.constant 3 : i32
          %and3A_223 = arith.andi %sub3A_221, %and3A_222 : i32
          %dma_wait3A_224 = arith.constant 1 : i32
          %dma_wait3A_225 = arith.constant 0 : i32
          %dma_wait3A_226 = arith.constant 0 : i32
          %dma_wait3A_227 = tpu.memref_slice %arg7[%sub3A_219, %dma_wait3A_225, %dma_wait3A_226] : memref<2x128x128xf32, #tpu.memory_space<vmem>> -> memref<1x128x128xf32, #tpu.memory_space<vmem>>
          %dma_wait3A_228 = tpu.memref_squeeze %dma_wait3A_227 : memref<1x128x128xf32, #tpu.memory_space<vmem>> -> memref<128x128xf32, #tpu.memory_space<vmem>>
          %dma_wait3A_229 = arith.constant 0 : i32
          %dma_wait3A_230 = tpu.memref_slice %arg5[%and3A_223, %dma_wait3A_224, %dma_wait3A_229] : memref<4x3x128xi32, #tpu.memory_space<vmem>> -> memref<1x1x128xi32, #tpu.memory_space<vmem>>
          %dma_wait3A_231 = tpu.memref_squeeze %dma_wait3A_230 : memref<1x1x128xi32, #tpu.memory_space<vmem>> -> memref<128xi32, #tpu.memory_space<vmem>>
          %dma_wait3A_232 = arith.constant 0 : i32
          %dma_wait3A_233 = arith.constant 0 : i32
          %dma_wait3A_234 = tpu.memref_slice %arg8[%dma_wait3A_232, %dma_wait3A_233] : memref<10000x128xf32, #tpu.memory_space<vmem_shared>> -> memref<10000x128xf32, #tpu.memory_space<vmem_shared>>
          tpu.wait_indirect_dma semaphore(%arg11 : memref<!tpu.dma_semaphore, #tpu.memory_space<semaphore_mem>>) src(%dma_wait3A_228 : memref<128x128xf32, #tpu.memory_space<vmem>>) dst(%dma_wait3A_234 : memref<10000x128xf32, #tpu.memory_space<vmem_shared>>)
        } else {
        }
        %add3A_202 = arith.constant 1 : i32
        %add3A_203 = arith.addi %while3A_132, %add3A_202 : i32
        %and3A_204 = arith.constant 3 : i32
        %and3A_205 = arith.andi %add3A_203, %and3A_204 : i32
        %sub3A = arith.constant 1 : i32
        %sub3A_206 = arith.subi %sub3A, %and3A_134 : i32
        %dma_start3A_207 = arith.constant 0 : i32
        %dma_start3A_208 = arith.constant 0 : i32
        %dma_start3A_209 = arith.constant 0 : i32
        %dma_start3A_210 = tpu.memref_slice %arg6[%sub3A_206, %dma_start3A_208, %dma_start3A_209] : memref<2x128x64xi32, #tpu.memory_space<vmem>> -> memref<1x128x64xi32, #tpu.memory_space<vmem>>
        %dma_start3A_211 = tpu.memref_squeeze %dma_start3A_210 : memref<1x128x64xi32, #tpu.memory_space<vmem>> -> memref<128x64xi32, #tpu.memory_space<vmem>>
        %dma_start3A_212 = arith.constant 0 : i32
        %dma_start3A_213 = tpu.memref_slice %arg5[%and3A_205, %dma_start3A_207, %dma_start3A_212] : memref<4x3x128xi32, #tpu.memory_space<vmem>> -> memref<1x1x128xi32, #tpu.memory_space<vmem>>
        %dma_start3A_214 = tpu.memref_squeeze %dma_start3A_213 : memref<1x1x128xi32, #tpu.memory_space<vmem>> -> memref<128xi32, #tpu.memory_space<vmem>>
        %dma_start3A_215 = arith.constant 0 : i32
        %dma_start3A_216 = arith.constant 0 : i32
        %dma_start3A_217 = tpu.memref_slice %arg2[%dma_start3A_215, %dma_start3A_216] : memref<10000x64xi32, #tpu.memory_space<hbm>> -> memref<10000x64xi32, #tpu.memory_space<hbm>>
        tpu.enqueue_indirect_dma source(%dma_start3A_217 : memref<10000x64xi32, #tpu.memory_space<hbm>>) target(%dma_start3A_211 : memref<128x64xi32, #tpu.memory_space<vmem>>) offsets(%dma_start3A_214 : memref<128xi32, #tpu.memory_space<vmem>>) semaphore(%arg10 : memref<!tpu.dma_semaphore, #tpu.memory_space<semaphore_mem>>)
      } else {
      }
      %add3A_154 = arith.constant 2 : i32
      %add3A_155 = arith.addi %while3A_132, %add3A_154 : i32
      %lt3A_156 = arith.cmpi slt, %add3A_155, %select_n3A : i32
      %convert_element_type3A_157 = arith.extui %lt3A_156 : i1 to i32
      %cond3A_158 = arith.constant 0 : i32
      %cond3A_159 = arith.cmpi ne, %convert_element_type3A_157, %cond3A_158 : i32
      scf.if %cond3A_159 {
        %add3A_175 = arith.addi %add3A_7, %while3A_132 : i32
        %add3A_176 = arith.constant 2 : i32
        %add3A_177 = arith.addi %add3A_175, %add3A_176 : i32
        %add3A_178 = arith.constant 2 : i32
        %add3A_179 = arith.addi %while3A_132, %add3A_178 : i32
        %and3A_180 = arith.constant 3 : i32
        %and3A_181 = arith.andi %add3A_179, %and3A_180 : i32
        %dma_start3A_182 = arith.constant 0 : i32
        %dma_start3A_183 = arith.constant 0 : i32
        %dma_start3A_184 = tpu.memref_slice %arg5[%and3A_181, %dma_start3A_182, %dma_start3A_183] : memref<4x3x128xi32, #tpu.memory_space<vmem>> -> memref<1x3x128xi32, #tpu.memory_space<vmem>>
        %dma_start3A_185 = tpu.memref_squeeze %dma_start3A_184 : memref<1x3x128xi32, #tpu.memory_space<vmem>> -> memref<3x128xi32, #tpu.memory_space<vmem>>
        %dma_start3A_186 = arith.constant 0 : i32
        %dma_start3A_187 = arith.constant 0 : i32
        %dma_start3A_188 = tpu.memref_slice %arg3[%add3A_177, %dma_start3A_186, %dma_start3A_187] : memref<2528x3x128xi32, #tpu.memory_space<hbm>> -> memref<1x3x128xi32, #tpu.memory_space<hbm>>
        %dma_start3A_189 = tpu.memref_squeeze %dma_start3A_188 : memref<1x3x128xi32, #tpu.memory_space<hbm>> -> memref<3x128xi32, #tpu.memory_space<hbm>>
        %dma_start3A_190 = arith.constant 0 : i32
        %dma_start3A_191 = arith.constant 0 : i32
        %dma_start3A_192 = tpu.memref_slice %arg5[%and3A_181, %dma_start3A_190, %dma_start3A_191] : memref<4x3x128xi32, #tpu.memory_space<vmem>> -> memref<1x3x128xi32, #tpu.memory_space<vmem>>
        %dma_start3A_193 = tpu.memref_squeeze %dma_start3A_192 : memref<1x3x128xi32, #tpu.memory_space<vmem>> -> memref<3x128xi32, #tpu.memory_space<vmem>>
        %dma_start3A_194 = arith.constant 0 : i32
        %dma_start3A_195 = arith.constant 0 : i32
        %dma_start3A_196 = tpu.memref_slice %arg3[%add3A_177, %dma_start3A_194, %dma_start3A_195] : memref<2528x3x128xi32, #tpu.memory_space<hbm>> -> memref<1x3x128xi32, #tpu.memory_space<hbm>>
        %dma_start3A_197 = tpu.memref_squeeze %dma_start3A_196 : memref<1x3x128xi32, #tpu.memory_space<hbm>> -> memref<3x128xi32, #tpu.memory_space<hbm>>
        tpu.enqueue_dma source(%dma_start3A_197 : memref<3x128xi32, #tpu.memory_space<hbm>>) target(%dma_start3A_193 : memref<3x128xi32, #tpu.memory_space<vmem>>) target_semaphore(%arg9 : memref<!tpu.dma_semaphore, #tpu.memory_space<semaphore_mem>>)
      } else {
      }
      %parallel_loop3A_160 = arith.constant 0 : i32
      %parallel_loop3A_161 = arith.constant 128 : i32
      %parallel_loop3A_162 = arith.constant 1 : i32
      scf.for %parallel_loop3A_175 = %parallel_loop3A_160 to %parallel_loop3A_161 step %parallel_loop3A_162  : i32 {
        %parallel_loop3A_176 = arith.constant 16 : i32
        %parallel_loop3A_177 = arith.divsi %parallel_loop3A_175, %parallel_loop3A_176 : i32
        %parallel_loop3A_178 = arith.constant 0 : i32
        %parallel_loop3A_179 = arith.cmpi sgt, %parallel_loop3A_175, %parallel_loop3A_178 : i32
        %parallel_loop3A_180 = arith.extui %parallel_loop3A_179 : i1 to i32
        %parallel_loop3A_181 = arith.constant 0 : i32
        %parallel_loop3A_182 = arith.cmpi slt, %parallel_loop3A_175, %parallel_loop3A_181 : i32
        %parallel_loop3A_183 = arith.extui %parallel_loop3A_182 : i1 to i32
        %parallel_loop3A_184 = arith.subi %parallel_loop3A_180, %parallel_loop3A_183 : i32
        %parallel_loop3A_185 = arith.constant 0 : i32
        %parallel_loop3A_186 = arith.cmpi sgt, %parallel_loop3A_176, %parallel_loop3A_185 : i32
        %parallel_loop3A_187 = arith.extui %parallel_loop3A_186 : i1 to i32
        %parallel_loop3A_188 = arith.constant 0 : i32
        %parallel_loop3A_189 = arith.cmpi slt, %parallel_loop3A_176, %parallel_loop3A_188 : i32
        %parallel_loop3A_190 = arith.extui %parallel_loop3A_189 : i1 to i32
        %parallel_loop3A_191 = arith.subi %parallel_loop3A_187, %parallel_loop3A_190 : i32
        %parallel_loop3A_192 = arith.cmpi ne, %parallel_loop3A_184, %parallel_loop3A_191 : i32
        %parallel_loop3A_193 = arith.remsi %parallel_loop3A_175, %parallel_loop3A_176 : i32
        %parallel_loop3A_194 = arith.constant 0 : i32
        %parallel_loop3A_195 = arith.cmpi ne, %parallel_loop3A_193, %parallel_loop3A_194 : i32
        %parallel_loop3A_196 = arith.andi %parallel_loop3A_192, %parallel_loop3A_195 : i1
        %parallel_loop3A_197 = arith.constant 1 : i32
        %parallel_loop3A_198 = arith.subi %parallel_loop3A_177, %parallel_loop3A_197 : i32
        %parallel_loop3A_199 = arith.select %parallel_loop3A_196, %parallel_loop3A_198, %parallel_loop3A_177 : i32
        %parallel_loop3A_200 = arith.constant 16 : i32
        %parallel_loop3A_201 = arith.muli %parallel_loop3A_199, %parallel_loop3A_200 : i32
        %parallel_loop3A_202 = arith.constant 2 : i32
        %parallel_loop3A_203 = arith.index_cast %and3A_136 : i32 to index
        %parallel_loop3A_204 = arith.index_cast %parallel_loop3A_202 : i32 to index
        %parallel_loop3A_205 = arith.index_cast %parallel_loop3A_201 : i32 to index
        %parallel_loop3A_206 = tpu.vector_load %arg5[%parallel_loop3A_203, %parallel_loop3A_204, %parallel_loop3A_205] {strides = array<i32>} : memref<4x3x128xi32, #tpu.memory_space<vmem>>, vector<1x1x16xi32>,
        %parallel_loop3A_207 = vector.shape_cast %parallel_loop3A_206 : vector<1x1x16xi32> to vector<16xi32>
        %parallel_loop3A_208 = tpu.bitcast %parallel_loop3A_207 : vector<16xi32> -> vector<16xf32>
        %parallel_loop3A_209 = arith.constant 16 : i32
        %parallel_loop3A_210 = arith.constant 0 : i32
        %parallel_loop3A_211 = arith.cmpi eq, %parallel_loop3A_209, %parallel_loop3A_210 : i32
        %parallel_loop3A_212 = arith.constant 1 : i32
        %parallel_loop3A_213 = arith.select %parallel_loop3A_211, %parallel_loop3A_212, %parallel_loop3A_209 : i32
        %parallel_loop3A_214 = arith.remsi %parallel_loop3A_175, %parallel_loop3A_213 : i32
        %parallel_loop3A_215 = arith.constant 0 : i32
        %parallel_loop3A_216 = arith.cmpi ne, %parallel_loop3A_214, %parallel_loop3A_215 : i32
        %parallel_loop3A_217 = arith.constant 0 : i32
        %parallel_loop3A_218 = arith.cmpi slt, %parallel_loop3A_214, %parallel_loop3A_217 : i32
        %parallel_loop3A_219 = arith.constant 0 : i32
        %parallel_loop3A_220 = arith.cmpi slt, %parallel_loop3A_213, %parallel_loop3A_219 : i32
        %parallel_loop3A_221 = arith.xori %parallel_loop3A_218, %parallel_loop3A_220 : i1
        %parallel_loop3A_222 = arith.andi %parallel_loop3A_221, %parallel_loop3A_216 : i1
        %parallel_loop3A_223 = arith.addi %parallel_loop3A_214, %parallel_loop3A_213 : i32
        %parallel_loop3A_224 = arith.select %parallel_loop3A_222, %parallel_loop3A_223, %parallel_loop3A_214 : i32
        %parallel_loop3A_225 = vector.broadcast %parallel_loop3A_224 : i32 to vector<16xi32>
        %parallel_loop3A_226 = arith.constant 0 : i32
        %parallel_loop3A_227 = vector.broadcast %parallel_loop3A_226 : i32 to vector<16xi32>
        %parallel_loop3A_228 = arith.cmpi slt, %parallel_loop3A_225, %parallel_loop3A_227 : vector<16xi32>
        %parallel_loop3A_229 = arith.constant 16 : i32
        %parallel_loop3A_230 = vector.broadcast %parallel_loop3A_229 : i32 to vector<16xi32>
        %parallel_loop3A_231 = arith.addi %parallel_loop3A_225, %parallel_loop3A_230 : vector<16xi32>
        %parallel_loop3A_232 = arith.select %parallel_loop3A_228, %parallel_loop3A_231, %parallel_loop3A_225 : vector<16xi1>, vector<16xi32>
        %parallel_loop3A_233 = vector.shape_cast %parallel_loop3A_232 : vector<16xi32> to vector<16x1xi32>
        %parallel_loop3A_234 = vector.shape_cast %parallel_loop3A_233 : vector<16x1xi32> to vector<16xi32>
        %parallel_loop3A_235 = tpu.dynamic_gather %parallel_loop3A_208[%parallel_loop3A_234] in [0] : vector<16xf32>, vector<16xi32> -> vector<16xf32>
        %parallel_loop3A_236 = arith.index_cast %and3A_134 : i32 to index
        %parallel_loop3A_237 = arith.index_cast %parallel_loop3A_175 : i32 to index
        %parallel_loop3A_238 = arith.constant 0 : index
        %parallel_loop3A_239 = tpu.vector_load %arg6[%parallel_loop3A_236, %parallel_loop3A_237, %parallel_loop3A_238] {strides = array<i32>} : memref<2x128x64xi32, #tpu.memory_space<vmem>>, vector<1x1x16xi32>,
        %parallel_loop3A_240 = vector.shape_cast %parallel_loop3A_239 : vector<1x1x16xi32> to vector<16xi32>
        %parallel_loop3A_241 = arith.constant 16 : i32
        %parallel_loop3A_242 = vector.broadcast %parallel_loop3A_241 : i32 to vector<16xi32>
        %parallel_loop3A_243 = arith.shli %parallel_loop3A_240, %parallel_loop3A_242 : vector<16xi32>
        %parallel_loop3A_244 = tpu.bitcast %parallel_loop3A_243 : vector<16xi32> -> vector<16xf32>
        %parallel_loop3A_245 = arith.constant -65536 : i32
        %parallel_loop3A_246 = vector.broadcast %parallel_loop3A_245 : i32 to vector<16xi32>
        %parallel_loop3A_247 = arith.andi %parallel_loop3A_240, %parallel_loop3A_246 : vector<16xi32>
        %parallel_loop3A_248 = tpu.bitcast %parallel_loop3A_247 : vector<16xi32> -> vector<16xf32>
        %parallel_loop3A_249 = arith.mulf %parallel_loop3A_244, %parallel_loop3A_235 : vector<16xf32>
        %parallel_loop3A_250 = arith.index_cast %and3A_134 : i32 to index
        %parallel_loop3A_251 = arith.index_cast %parallel_loop3A_175 : i32 to index
        %parallel_loop3A_252 = arith.constant 0 : index
        %parallel_loop3A_253 = tpu.vector_load %arg7[%parallel_loop3A_250, %parallel_loop3A_251, %parallel_loop3A_252] {strides = array<i32>} : memref<2x128x128xf32, #tpu.memory_space<vmem>>, vector<1x1x16xf32>,
        %parallel_loop3A_254 = vector.shape_cast %parallel_loop3A_253 : vector<1x1x16xf32> to vector<16xf32>
        %parallel_loop3A_255 = vector.shape_cast %parallel_loop3A_249 : vector<16xf32> to vector<1x1x16xf32>
        tpu.vector_store %arg7[%parallel_loop3A_250, %parallel_loop3A_251, %parallel_loop3A_252], %parallel_loop3A_255 {strides = array<i32>} : memref<2x128x128xf32, #tpu.memory_space<vmem>>, vector<1x1x16xf32>,
        %parallel_loop3A_256 = arith.mulf %parallel_loop3A_248, %parallel_loop3A_235 : vector<16xf32>
        %parallel_loop3A_257 = arith.index_cast %and3A_134 : i32 to index
        %parallel_loop3A_258 = arith.index_cast %parallel_loop3A_175 : i32 to index
        %parallel_loop3A_259 = arith.constant 16 : index
        %parallel_loop3A_260 = tpu.vector_load %arg7[%parallel_loop3A_257, %parallel_loop3A_258, %parallel_loop3A_259] {strides = array<i32>} : memref<2x128x128xf32, #tpu.memory_space<vmem>>, vector<1x1x16xf32>,
        %parallel_loop3A_261 = vector.shape_cast %parallel_loop3A_260 : vector<1x1x16xf32> to vector<16xf32>
        %parallel_loop3A_262 = vector.shape_cast %parallel_loop3A_256 : vector<16xf32> to vector<1x1x16xf32>
        tpu.vector_store %arg7[%parallel_loop3A_257, %parallel_loop3A_258, %parallel_loop3A_259], %parallel_loop3A_262 {strides = array<i32>} : memref<2x128x128xf32, #tpu.memory_space<vmem>>, vector<1x1x16xf32>,
        %parallel_loop3A_263 = arith.index_cast %and3A_134 : i32 to index
        %parallel_loop3A_264 = arith.index_cast %parallel_loop3A_175 : i32 to index
        %parallel_loop3A_265 = arith.constant 16 : index
        %parallel_loop3A_266 = tpu.vector_load %arg6[%parallel_loop3A_263, %parallel_loop3A_264, %parallel_loop3A_265] {strides = array<i32>} : memref<2x128x64xi32, #tpu.memory_space<vmem>>, vector<1x1x16xi32>,
        %parallel_loop3A_267 = vector.shape_cast %parallel_loop3A_266 : vector<1x1x16xi32> to vector<16xi32>
        %parallel_loop3A_268 = arith.constant 16 : i32
        %parallel_loop3A_269 = vector.broadcast %parallel_loop3A_268 : i32 to vector<16xi32>
        %parallel_loop3A_270 = arith.shli %parallel_loop3A_267, %parallel_loop3A_269 : vector<16xi32>
        %parallel_loop3A_271 = tpu.bitcast %parallel_loop3A_270 : vector<16xi32> -> vector<16xf32>
        %parallel_loop3A_272 = arith.constant -65536 : i32
        %parallel_loop3A_273 = vector.broadcast %parallel_loop3A_272 : i32 to vector<16xi32>
        %parallel_loop3A_274 = arith.andi %parallel_loop3A_267, %parallel_loop3A_273 : vector<16xi32>
        %parallel_loop3A_275 = tpu.bitcast %parallel_loop3A_274 : vector<16xi32> -> vector<16xf32>
        %parallel_loop3A_276 = arith.mulf %parallel_loop3A_271, %parallel_loop3A_235 : vector<16xf32>
        %parallel_loop3A_277 = arith.index_cast %and3A_134 : i32 to index
        %parallel_loop3A_278 = arith.index_cast %parallel_loop3A_175 : i32 to index
        %parallel_loop3A_279 = arith.constant 32 : index
        %parallel_loop3A_280 = tpu.vector_load %arg7[%parallel_loop3A_277, %parallel_loop3A_278, %parallel_loop3A_279] {strides = array<i32>} : memref<2x128x128xf32, #tpu.memory_space<vmem>>, vector<1x1x16xf32>,
        %parallel_loop3A_281 = vector.shape_cast %parallel_loop3A_280 : vector<1x1x16xf32> to vector<16xf32>
        %parallel_loop3A_282 = vector.shape_cast %parallel_loop3A_276 : vector<16xf32> to vector<1x1x16xf32>
        tpu.vector_store %arg7[%parallel_loop3A_277, %parallel_loop3A_278, %parallel_loop3A_279], %parallel_loop3A_282 {strides = array<i32>} : memref<2x128x128xf32, #tpu.memory_space<vmem>>, vector<1x1x16xf32>,
        %parallel_loop3A_283 = arith.mulf %parallel_loop3A_275, %parallel_loop3A_235 : vector<16xf32>
        %parallel_loop3A_284 = arith.index_cast %and3A_134 : i32 to index
        %parallel_loop3A_285 = arith.index_cast %parallel_loop3A_175 : i32 to index
        %parallel_loop3A_286 = arith.constant 48 : index
        %parallel_loop3A_287 = tpu.vector_load %arg7[%parallel_loop3A_284, %parallel_loop3A_285, %parallel_loop3A_286] {strides = array<i32>} : memref<2x128x128xf32, #tpu.memory_space<vmem>>, vector<1x1x16xf32>,
        %parallel_loop3A_288 = vector.shape_cast %parallel_loop3A_287 : vector<1x1x16xf32> to vector<16xf32>
        %parallel_loop3A_289 = vector.shape_cast %parallel_loop3A_283 : vector<16xf32> to vector<1x1x16xf32>
        tpu.vector_store %arg7[%parallel_loop3A_284, %parallel_loop3A_285, %parallel_loop3A_286], %parallel_loop3A_289 {strides = array<i32>} : memref<2x128x128xf32, #tpu.memory_space<vmem>>, vector<1x1x16xf32>,
        %parallel_loop3A_290 = arith.index_cast %and3A_134 : i32 to index
        %parallel_loop3A_291 = arith.index_cast %parallel_loop3A_175 : i32 to index
        %parallel_loop3A_292 = arith.constant 32 : index
        %parallel_loop3A_293 = tpu.vector_load %arg6[%parallel_loop3A_290, %parallel_loop3A_291, %parallel_loop3A_292] {strides = array<i32>} : memref<2x128x64xi32, #tpu.memory_space<vmem>>, vector<1x1x16xi32>,
        %parallel_loop3A_294 = vector.shape_cast %parallel_loop3A_293 : vector<1x1x16xi32> to vector<16xi32>
        %parallel_loop3A_295 = arith.constant 16 : i32
        %parallel_loop3A_296 = vector.broadcast %parallel_loop3A_295 : i32 to vector<16xi32>
        %parallel_loop3A_297 = arith.shli %parallel_loop3A_294, %parallel_loop3A_296 : vector<16xi32>
        %parallel_loop3A_298 = tpu.bitcast %parallel_loop3A_297 : vector<16xi32> -> vector<16xf32>
        %parallel_loop3A_299 = arith.constant -65536 : i32
        %parallel_loop3A_300 = vector.broadcast %parallel_loop3A_299 : i32 to vector<16xi32>
        %parallel_loop3A_301 = arith.andi %parallel_loop3A_294, %parallel_loop3A_300 : vector<16xi32>
        %parallel_loop3A_302 = tpu.bitcast %parallel_loop3A_301 : vector<16xi32> -> vector<16xf32>
        %parallel_loop3A_303 = arith.mulf %parallel_loop3A_298, %parallel_loop3A_235 : vector<16xf32>
        %parallel_loop3A_304 = arith.index_cast %and3A_134 : i32 to index
        %parallel_loop3A_305 = arith.index_cast %parallel_loop3A_175 : i32 to index
        %parallel_loop3A_306 = arith.constant 64 : index
        %parallel_loop3A_307 = tpu.vector_load %arg7[%parallel_loop3A_304, %parallel_loop3A_305, %parallel_loop3A_306] {strides = array<i32>} : memref<2x128x128xf32, #tpu.memory_space<vmem>>, vector<1x1x16xf32>,
        %parallel_loop3A_308 = vector.shape_cast %parallel_loop3A_307 : vector<1x1x16xf32> to vector<16xf32>
        %parallel_loop3A_309 = vector.shape_cast %parallel_loop3A_303 : vector<16xf32> to vector<1x1x16xf32>
        tpu.vector_store %arg7[%parallel_loop3A_304, %parallel_loop3A_305, %parallel_loop3A_306], %parallel_loop3A_309 {strides = array<i32>} : memref<2x128x128xf32, #tpu.memory_space<vmem>>, vector<1x1x16xf32>,
        %parallel_loop3A_310 = arith.mulf %parallel_loop3A_302, %parallel_loop3A_235 : vector<16xf32>
        %parallel_loop3A_311 = arith.index_cast %and3A_134 : i32 to index
        %parallel_loop3A_312 = arith.index_cast %parallel_loop3A_175 : i32 to index
        %parallel_loop3A_313 = arith.constant 80 : index
        %parallel_loop3A_314 = tpu.vector_load %arg7[%parallel_loop3A_311, %parallel_loop3A_312, %parallel_loop3A_313] {strides = array<i32>} : memref<2x128x128xf32, #tpu.memory_space<vmem>>, vector<1x1x16xf32>,
        %parallel_loop3A_315 = vector.shape_cast %parallel_loop3A_314 : vector<1x1x16xf32> to vector<16xf32>
        %parallel_loop3A_316 = vector.shape_cast %parallel_loop3A_310 : vector<16xf32> to vector<1x1x16xf32>
        tpu.vector_store %arg7[%parallel_loop3A_311, %parallel_loop3A_312, %parallel_loop3A_313], %parallel_loop3A_316 {strides = array<i32>} : memref<2x128x128xf32, #tpu.memory_space<vmem>>, vector<1x1x16xf32>,
        %parallel_loop3A_317 = arith.index_cast %and3A_134 : i32 to index
        %parallel_loop3A_318 = arith.index_cast %parallel_loop3A_175 : i32 to index
        %parallel_loop3A_319 = arith.constant 48 : index
        %parallel_loop3A_320 = tpu.vector_load %arg6[%parallel_loop3A_317, %parallel_loop3A_318, %parallel_loop3A_319] {strides = array<i32>} : memref<2x128x64xi32, #tpu.memory_space<vmem>>, vector<1x1x16xi32>,
        %parallel_loop3A_321 = vector.shape_cast %parallel_loop3A_320 : vector<1x1x16xi32> to vector<16xi32>
        %parallel_loop3A_322 = arith.constant 16 : i32
        %parallel_loop3A_323 = vector.broadcast %parallel_loop3A_322 : i32 to vector<16xi32>
        %parallel_loop3A_324 = arith.shli %parallel_loop3A_321, %parallel_loop3A_323 : vector<16xi32>
        %parallel_loop3A_325 = tpu.bitcast %parallel_loop3A_324 : vector<16xi32> -> vector<16xf32>
        %parallel_loop3A_326 = arith.constant -65536 : i32
        %parallel_loop3A_327 = vector.broadcast %parallel_loop3A_326 : i32 to vector<16xi32>
        %parallel_loop3A_328 = arith.andi %parallel_loop3A_321, %parallel_loop3A_327 : vector<16xi32>
        %parallel_loop3A_329 = tpu.bitcast %parallel_loop3A_328 : vector<16xi32> -> vector<16xf32>
        %parallel_loop3A_330 = arith.mulf %parallel_loop3A_325, %parallel_loop3A_235 : vector<16xf32>
        %parallel_loop3A_331 = arith.index_cast %and3A_134 : i32 to index
        %parallel_loop3A_332 = arith.index_cast %parallel_loop3A_175 : i32 to index
        %parallel_loop3A_333 = arith.constant 96 : index
        %parallel_loop3A_334 = tpu.vector_load %arg7[%parallel_loop3A_331, %parallel_loop3A_332, %parallel_loop3A_333] {strides = array<i32>} : memref<2x128x128xf32, #tpu.memory_space<vmem>>, vector<1x1x16xf32>,
        %parallel_loop3A_335 = vector.shape_cast %parallel_loop3A_334 : vector<1x1x16xf32> to vector<16xf32>
        %parallel_loop3A_336 = vector.shape_cast %parallel_loop3A_330 : vector<16xf32> to vector<1x1x16xf32>
        tpu.vector_store %arg7[%parallel_loop3A_331, %parallel_loop3A_332, %parallel_loop3A_333], %parallel_loop3A_336 {strides = array<i32>} : memref<2x128x128xf32, #tpu.memory_space<vmem>>, vector<1x1x16xf32>,
        %parallel_loop3A_337 = arith.mulf %parallel_loop3A_329, %parallel_loop3A_235 : vector<16xf32>
        %parallel_loop3A_338 = arith.index_cast %and3A_134 : i32 to index
        %parallel_loop3A_339 = arith.index_cast %parallel_loop3A_175 : i32 to index
        %parallel_loop3A_340 = arith.constant 112 : index
        %parallel_loop3A_341 = tpu.vector_load %arg7[%parallel_loop3A_338, %parallel_loop3A_339, %parallel_loop3A_340] {strides = array<i32>} : memref<2x128x128xf32, #tpu.memory_space<vmem>>, vector<1x1x16xf32>,
        %parallel_loop3A_342 = vector.shape_cast %parallel_loop3A_341 : vector<1x1x16xf32> to vector<16xf32>
        %parallel_loop3A_343 = vector.shape_cast %parallel_loop3A_337 : vector<16xf32> to vector<1x1x16xf32>
        tpu.vector_store %arg7[%parallel_loop3A_338, %parallel_loop3A_339, %parallel_loop3A_340], %parallel_loop3A_343 {strides = array<i32>} : memref<2x128x128xf32, #tpu.memory_space<vmem>>, vector<1x1x16xf32>,
      } {sc.loop_unroll_factor = 4 : i64, sc.parallel_access}
      %dma_start3A_163 = arith.constant 1 : i32
      %dma_start3A_164 = arith.constant 0 : i32
      %dma_start3A_165 = arith.constant 0 : i32
      %dma_start3A_166 = tpu.memref_slice %arg7[%and3A_134, %dma_start3A_164, %dma_start3A_165] : memref<2x128x128xf32, #tpu.memory_space<vmem>> -> memref<1x128x128xf32, #tpu.memory_space<vmem>>
      %dma_start3A_167 = tpu.memref_squeeze %dma_start3A_166 : memref<1x128x128xf32, #tpu.memory_space<vmem>> -> memref<128x128xf32, #tpu.memory_space<vmem>>
      %dma_start3A_168 = arith.constant 0 : i32
      %dma_start3A_169 = tpu.memref_slice %arg5[%and3A_136, %dma_start3A_163, %dma_start3A_168] : memref<4x3x128xi32, #tpu.memory_space<vmem>> -> memref<1x1x128xi32, #tpu.memory_space<vmem>>
      %dma_start3A_170 = tpu.memref_squeeze %dma_start3A_169 : memref<1x1x128xi32, #tpu.memory_space<vmem>> -> memref<128xi32, #tpu.memory_space<vmem>>
      %dma_start3A_171 = arith.constant 0 : i32
      %dma_start3A_172 = arith.constant 0 : i32
      %dma_start3A_173 = tpu.memref_slice %arg8[%dma_start3A_171, %dma_start3A_172] : memref<10000x128xf32, #tpu.memory_space<vmem_shared>> -> memref<10000x128xf32, #tpu.memory_space<vmem_shared>>
      tpu.enqueue_indirect_dma source(%dma_start3A_167 : memref<128x128xf32, #tpu.memory_space<vmem>>) target(%dma_start3A_173 : memref<10000x128xf32, #tpu.memory_space<vmem_shared>>) offsets(%dma_start3A_170 : memref<128xi32, #tpu.memory_space<vmem>>) semaphore(%arg11 : memref<!tpu.dma_semaphore, #tpu.memory_space<semaphore_mem>>) {add = true}
      %while3A_174 = arith.constant 0 : i32
      scf.yield %while3A_174 : i32
    }
    %dma_wait3A_95 = arith.constant 0 : i32
    %dma_wait3A_96 = arith.constant 0 : i32
    %dma_wait3A_97 = arith.constant 1 : i32
    %dma_wait3A_98 = arith.constant 0 : i32
    %dma_wait3A_99 = arith.constant 0 : i32
    %dma_wait3A_100 = tpu.memref_slice %arg7[%dma_wait3A_95, %dma_wait3A_98, %dma_wait3A_99] : memref<2x128x128xf32, #tpu.memory_space<vmem>> -> memref<1x128x128xf32, #tpu.memory_space<vmem>>
    %dma_wait3A_101 = tpu.memref_squeeze %dma_wait3A_100 : memref<1x128x128xf32, #tpu.memory_space<vmem>> -> memref<128x128xf32, #tpu.memory_space<vmem>>
    %dma_wait3A_102 = arith.constant 0 : i32
    %dma_wait3A_103 = tpu.memref_slice %arg5[%dma_wait3A_96, %dma_wait3A_97, %dma_wait3A_102] : memref<4x3x128xi32, #tpu.memory_space<vmem>> -> memref<1x1x128xi32, #tpu.memory_space<vmem>>
    %dma_wait3A_104 = tpu.memref_squeeze %dma_wait3A_103 : memref<1x1x128xi32, #tpu.memory_space<vmem>> -> memref<128xi32, #tpu.memory_space<vmem>>
    %dma_wait3A_105 = arith.constant 0 : i32
    %dma_wait3A_106 = arith.constant 0 : i32
    %dma_wait3A_107 = tpu.memref_slice %arg8[%dma_wait3A_105, %dma_wait3A_106] : memref<10000x128xf32, #tpu.memory_space<vmem_shared>> -> memref<10000x128xf32, #tpu.memory_space<vmem_shared>>
    tpu.wait_indirect_dma semaphore(%arg11 : memref<!tpu.dma_semaphore, #tpu.memory_space<semaphore_mem>>) src(%dma_wait3A_101 : memref<128x128xf32, #tpu.memory_space<vmem>>) dst(%dma_wait3A_107 : memref<10000x128xf32, #tpu.memory_space<vmem_shared>>)
    %dma_wait3A_108 = arith.constant 1 : i32
    %dma_wait3A_109 = arith.constant 1 : i32
    %dma_wait3A_110 = arith.constant 1 : i32
    %dma_wait3A_111 = arith.constant 0 : i32
    %dma_wait3A_112 = arith.constant 0 : i32
    %dma_wait3A_113 = tpu.memref_slice %arg7[%dma_wait3A_108, %dma_wait3A_111, %dma_wait3A_112] : memref<2x128x128xf32, #tpu.memory_space<vmem>> -> memref<1x128x128xf32, #tpu.memory_space<vmem>>
    %dma_wait3A_114 = tpu.memref_squeeze %dma_wait3A_113 : memref<1x128x128xf32, #tpu.memory_space<vmem>> -> memref<128x128xf32, #tpu.memory_space<vmem>>
    %dma_wait3A_115 = arith.constant 0 : i32
    %dma_wait3A_116 = tpu.memref_slice %arg5[%dma_wait3A_109, %dma_wait3A_110, %dma_wait3A_115] : memref<4x3x128xi32, #tpu.memory_space<vmem>> -> memref<1x1x128xi32, #tpu.memory_space<vmem>>
    %dma_wait3A_117 = tpu.memref_squeeze %dma_wait3A_116 : memref<1x1x128xi32, #tpu.memory_space<vmem>> -> memref<128xi32, #tpu.memory_space<vmem>>
    %dma_wait3A_118 = arith.constant 0 : i32
    %dma_wait3A_119 = arith.constant 0 : i32
    %dma_wait3A_120 = tpu.memref_slice %arg8[%dma_wait3A_118, %dma_wait3A_119] : memref<10000x128xf32, #tpu.memory_space<vmem_shared>> -> memref<10000x128xf32, #tpu.memory_space<vmem_shared>>
    tpu.wait_indirect_dma semaphore(%arg11 : memref<!tpu.dma_semaphore, #tpu.memory_space<semaphore_mem>>) src(%dma_wait3A_114 : memref<128x128xf32, #tpu.memory_space<vmem>>) dst(%dma_wait3A_120 : memref<10000x128xf32, #tpu.memory_space<vmem_shared>>)
    %barrier3A_121 = arith.constant 0 : index
    tpu.barrier barrier_id(%barrier3A_121)
    %lt3A_122 = arith.constant 15 : i32
    %lt3A_123 = arith.cmpi slt, %arg1, %lt3A_122 : i32
    %convert_element_type3A_124 = arith.extui %lt3A_123 : i1 to i32
    %cond3A_125 = arith.constant 0 : i32
    %cond3A_126 = arith.cmpi ne, %convert_element_type3A_124, %cond3A_125 : i32
    scf.if %cond3A_126 {
      "tpu.region"() ({
        %run_scoped3A = tpu.sem_alloc : memref<!tpu.dma_semaphore, #tpu.memory_space<semaphore_mem>>
        %dma_start3A_132 = arith.constant 0 : i32
        %dma_start3A_133 = tpu.memref_slice %arg4[%arg0, %mul3A_28, %dma_start3A_132] : memref<2x10000x128xf32, #tpu.memory_space<hbm>> -> memref<1x632x128xf32, #tpu.memory_space<hbm>>
        %dma_start3A_134 = tpu.memref_squeeze %dma_start3A_133 : memref<1x632x128xf32, #tpu.memory_space<hbm>> -> memref<632x128xf32, #tpu.memory_space<hbm>>
        %dma_start3A_135 = arith.constant 0 : i32
        %dma_start3A_136 = tpu.memref_slice %arg8[%mul3A_28, %dma_start3A_135] : memref<10000x128xf32, #tpu.memory_space<vmem_shared>> -> memref<632x128xf32, #tpu.memory_space<vmem_shared>>
        tpu.enqueue_dma source(%dma_start3A_136 : memref<632x128xf32, #tpu.memory_space<vmem_shared>>) target(%dma_start3A_134 : memref<632x128xf32, #tpu.memory_space<hbm>>) target_semaphore(%run_scoped3A : memref<!tpu.dma_semaphore, #tpu.memory_space<semaphore_mem>>)
        %dma_wait3A_137 = arith.constant 0 : i32
        %dma_wait3A_138 = tpu.memref_slice %arg4[%arg0, %mul3A_28, %dma_wait3A_137] : memref<2x10000x128xf32, #tpu.memory_space<hbm>> -> memref<1x632x128xf32, #tpu.memory_space<hbm>>
        %dma_wait3A_139 = tpu.memref_squeeze %dma_wait3A_138 : memref<1x632x128xf32, #tpu.memory_space<hbm>> -> memref<632x128xf32, #tpu.memory_space<hbm>>
        %dma_wait3A_140 = arith.constant 0 : i32
        %dma_wait3A_141 = tpu.memref_slice %arg8[%mul3A_28, %dma_wait3A_140] : memref<10000x128xf32, #tpu.memory_space<vmem_shared>> -> memref<632x128xf32, #tpu.memory_space<vmem_shared>>
        tpu.wait_dma2 semaphore(%run_scoped3A : memref<!tpu.dma_semaphore, #tpu.memory_space<semaphore_mem>>) src(%dma_wait3A_141 : memref<632x128xf32, #tpu.memory_space<vmem_shared>>) dst(%dma_wait3A_139 : memref<632x128xf32, #tpu.memory_space<hbm>>)
        tpu.yield
      }) : () -> ()
    } else {
    }
    %eq3A_127 = arith.constant 15 : i32
    %eq3A_128 = arith.cmpi eq, %arg1, %eq3A_127 : i32
    %convert_element_type3A_129 = arith.extui %eq3A_128 : i1 to i32
    %cond3A_130 = arith.constant 0 : i32
    %cond3A_131 = arith.cmpi ne, %convert_element_type3A_129, %cond3A_130 : i32
    scf.if %cond3A_131 {
      "tpu.region"() ({
        %run_scoped3A = tpu.sem_alloc : memref<!tpu.dma_semaphore, #tpu.memory_space<semaphore_mem>>
        %dma_start3A_132 = arith.constant 0 : i32
        %dma_start3A_133 = tpu.memref_slice %arg4[%arg0, %mul3A_28, %dma_start3A_132] : memref<2x10000x128xf32, #tpu.memory_space<hbm>> -> memref<1x520x128xf32, #tpu.memory_space<hbm>>
        %dma_start3A_134 = tpu.memref_squeeze %dma_start3A_133 : memref<1x520x128xf32, #tpu.memory_space<hbm>> -> memref<520x128xf32, #tpu.memory_space<hbm>>
        %dma_start3A_135 = arith.constant 0 : i32
        %dma_start3A_136 = tpu.memref_slice %arg8[%mul3A_28, %dma_start3A_135] : memref<10000x128xf32, #tpu.memory_space<vmem_shared>> -> memref<520x128xf32, #tpu.memory_space<vmem_shared>>
        tpu.enqueue_dma source(%dma_start3A_136 : memref<520x128xf32, #tpu.memory_space<vmem_shared>>) target(%dma_start3A_134 : memref<520x128xf32, #tpu.memory_space<hbm>>) target_semaphore(%run_scoped3A : memref<!tpu.dma_semaphore, #tpu.memory_space<semaphore_mem>>)
        %dma_wait3A_137 = arith.constant 0 : i32
        %dma_wait3A_138 = tpu.memref_slice %arg4[%arg0, %mul3A_28, %dma_wait3A_137] : memref<2x10000x128xf32, #tpu.memory_space<hbm>> -> memref<1x520x128xf32, #tpu.memory_space<hbm>>
        %dma_wait3A_139 = tpu.memref_squeeze %dma_wait3A_138 : memref<1x520x128xf32, #tpu.memory_space<hbm>> -> memref<520x128xf32, #tpu.memory_space<hbm>>
        %dma_wait3A_140 = arith.constant 0 : i32
        %dma_wait3A_141 = tpu.memref_slice %arg8[%mul3A_28, %dma_wait3A_140] : memref<10000x128xf32, #tpu.memory_space<vmem_shared>> -> memref<520x128xf32, #tpu.memory_space<vmem_shared>>
        tpu.wait_dma2 semaphore(%run_scoped3A : memref<!tpu.dma_semaphore, #tpu.memory_space<semaphore_mem>>) src(%dma_wait3A_141 : memref<520x128xf32, #tpu.memory_space<vmem_shared>>) dst(%dma_wait3A_139 : memref<520x128xf32, #tpu.memory_space<hbm>>)
        tpu.yield
      }) : () -> ()
    } else {
    }
    return
  }
}

module attributes {stable_mosaic.version = 14 : i64} {
  func.func @_mm_body(%arg0: i32, %arg1: memref<1000x128xf32, #tpu.memory_space<vmem>>, %arg2: memref<128x128xf32, #tpu.memory_space<vmem>>, %arg3: memref<1x128xf32, #tpu.memory_space<vmem>>, %arg4: memref<1000x64xi32, #tpu.memory_space<vmem>>) attributes {dimension_semantics = [#tpu.dimension_semantics<arbitrary>], iteration_bounds = array<i64: 10>, scalar_prefetch = 0 : i64, scratch_operands = 0 : i64, tpu.core_type = #tpu.core_type<tc>, window_params = [{transform_indices = @transform_0, window_bounds = array<i64: 1000, 128>}, {pipeline_mode = #tpu.pipeline_mode<synchronous>, transform_indices = @transform_1, window_bounds = array<i64: 128, 128>}, {pipeline_mode = #tpu.pipeline_mode<synchronous>, transform_indices = @transform_2, window_bounds = array<i64: 1, 128>}, {transform_indices = @transform_3, window_bounds = array<i64: 1000, 64>}]} {
    %get3A = arith.constant 0 : index
    %get3A_0 = arith.constant 0 : index
    %get3A_1 = vector.load %arg1[%get3A, %get3A_0] : memref<1000x128xf32, #tpu.memory_space<vmem>>, vector<1000x128xf32>
    %get3A_2 = arith.constant 0 : index
    %get3A_3 = arith.constant 0 : index
    %get3A_4 = vector.load %arg2[%get3A_2, %get3A_3] : memref<128x128xf32, #tpu.memory_space<vmem>>, vector<128x128xf32>
    %dot_general3A = arith.constant dense<0.000000e+00> : vector<1000x128xf32>
    %dot_general3A_5 = tpu.matmul %get3A_1, %get3A_4, %dot_general3A {dimension_numbers = #tpu.dot_dimension_numbers<[1], [1], [0], [0], [0, 0, 1, 0], [], []>, transpose_lhs_hint = false} : vector<1000x128xf32>, vector<128x128xf32>, vector<1000x128xf32> -> vector<1000x128xf32>
    %get3A_6 = arith.constant 0 : index
    %get3A_7 = arith.constant 0 : index
    %get3A_8 = vector.load %arg3[%get3A_6, %get3A_7] : memref<1x128xf32, #tpu.memory_space<vmem>>, vector<1x128xf32>
    %add3A = vector.broadcast %get3A_8 : vector<1x128xf32> to vector<1000x128xf32>
    %add3A_9 = arith.addf %dot_general3A_5, %add3A : vector<1000x128xf32>
    %slice3A = vector.extract_strided_slice %add3A_9 {offsets = [0, 0], sizes = [1000, 64], strides = [1, 1]} : vector<1000x128xf32> to vector<1000x64xf32>
    %bitcast3A = tpu.bitcast %slice3A : vector<1000x64xf32> -> vector<1000x64xi32>
    %shift_right_logical3A = arith.constant 16 : i32
    %shift_right_logical3A_10 = vector.broadcast %shift_right_logical3A : i32 to vector<1000x64xi32>
    %shift_right_logical3A_11 = arith.shrui %bitcast3A, %shift_right_logical3A_10 : vector<1000x64xi32>
    %and3A = arith.constant 1 : i32
    %and3A_12 = vector.broadcast %and3A : i32 to vector<1000x64xi32>
    %and3A_13 = arith.andi %shift_right_logical3A_11, %and3A_12 : vector<1000x64xi32>
    %add3A_14 = arith.constant 32767 : i32
    %add3A_15 = vector.broadcast %add3A_14 : i32 to vector<1000x64xi32>
    %add3A_16 = arith.addi %bitcast3A, %add3A_15 : vector<1000x64xi32>
    %add3A_17 = arith.addi %add3A_16, %and3A_13 : vector<1000x64xi32>
    %shift_right_logical3A_18 = arith.constant 16 : i32
    %shift_right_logical3A_19 = vector.broadcast %shift_right_logical3A_18 : i32 to vector<1000x64xi32>
    %shift_right_logical3A_20 = arith.shrui %add3A_17, %shift_right_logical3A_19 : vector<1000x64xi32>
    %slice3A_21 = vector.extract_strided_slice %add3A_9 {offsets = [0, 64], sizes = [1000, 64], strides = [1, 1]} : vector<1000x128xf32> to vector<1000x64xf32>
    %bitcast3A_22 = tpu.bitcast %slice3A_21 : vector<1000x64xf32> -> vector<1000x64xi32>
    %shift_right_logical3A_23 = arith.constant 16 : i32
    %shift_right_logical3A_24 = vector.broadcast %shift_right_logical3A_23 : i32 to vector<1000x64xi32>
    %shift_right_logical3A_25 = arith.shrui %bitcast3A_22, %shift_right_logical3A_24 : vector<1000x64xi32>
    %and3A_26 = arith.constant 1 : i32
    %and3A_27 = vector.broadcast %and3A_26 : i32 to vector<1000x64xi32>
    %and3A_28 = arith.andi %shift_right_logical3A_25, %and3A_27 : vector<1000x64xi32>
    %add3A_29 = arith.constant 32767 : i32
    %add3A_30 = vector.broadcast %add3A_29 : i32 to vector<1000x64xi32>
    %add3A_31 = arith.addi %bitcast3A_22, %add3A_30 : vector<1000x64xi32>
    %add3A_32 = arith.addi %add3A_31, %and3A_28 : vector<1000x64xi32>
    %shift_right_logical3A_33 = arith.constant 16 : i32
    %shift_right_logical3A_34 = vector.broadcast %shift_right_logical3A_33 : i32 to vector<1000x64xi32>
    %shift_right_logical3A_35 = arith.shrui %add3A_32, %shift_right_logical3A_34 : vector<1000x64xi32>
    %shift_left3A = arith.constant 16 : i32
    %shift_left3A_36 = vector.broadcast %shift_left3A : i32 to vector<1000x64xi32>
    %shift_left3A_37 = arith.shli %shift_right_logical3A_35, %shift_left3A_36 : vector<1000x64xi32>
    %or3A = arith.ori %shift_right_logical3A_20, %shift_left3A_37 : vector<1000x64xi32>
    %swap3A = arith.constant 0 : index
    %swap3A_38 = arith.constant 0 : index
    %swap3A_39 = vector.load %arg4[%swap3A, %swap3A_38] : memref<1000x64xi32, #tpu.memory_space<vmem>>, vector<1000x64xi32>
    tpu.vector_store %arg4[%swap3A, %swap3A_38], %or3A {strides = array<i32>} : memref<1000x64xi32, #tpu.memory_space<vmem>>, vector<1000x64xi32>,
    return
  }
  func.func @transform_0(%arg0: i32) -> (i32, i32) {
    %c0_i32 = arith.constant 0 : i32
    %c0_i32_0 = arith.constant 0 : i32
    return %arg0, %c0_i32 : i32, i32
  }
  func.func @transform_1(%arg0: i32) -> (i32, i32) {
    %c0_i32 = arith.constant 0 : i32
    %c0_i32_0 = arith.constant 0 : i32
    %c0_i32_1 = arith.constant 0 : i32
    return %c0_i32, %c0_i32_0 : i32, i32
  }
  func.func @transform_2(%arg0: i32) -> (i32, i32) {
    %c0_i32 = arith.constant 0 : i32
    %c0_i32_0 = arith.constant 0 : i32
    %c0_i32_1 = arith.constant 0 : i32
    return %c0_i32, %c0_i32_0 : i32, i32
  }
  func.func @transform_3(%arg0: i32) -> (i32, i32) {
    %c0_i32 = arith.constant 0 : i32
    %c0_i32_0 = arith.constant 0 : i32
    return %arg0, %c0_i32 : i32, i32
  }
}

module attributes {stable_mosaic.version = 14 : i64} {
  func.func @_add_body(%arg0: i32, %arg1: memref<2x1000x128xf32, #tpu.memory_space<vmem>>, %arg2: memref<1000x128xf32, #tpu.memory_space<vmem>>) attributes {dimension_semantics = [#tpu.dimension_semantics<arbitrary>], iteration_bounds = array<i64: 10>, scalar_prefetch = 0 : i64, scratch_operands = 0 : i64, tpu.core_type = #tpu.core_type<tc>, window_params = [{transform_indices = @transform_0, window_bounds = array<i64: 2, 1000, 128>}, {transform_indices = @transform_1, window_bounds = array<i64: 1000, 128>}]} {
    %get3A = arith.constant 0 : index
    %get3A_0 = arith.constant 0 : index
    %get3A_1 = arith.constant 0 : index
    %get3A_2 = vector.load %arg1[%get3A, %get3A_0, %get3A_1] : memref<2x1000x128xf32, #tpu.memory_space<vmem>>, vector<1x1000x128xf32>
    %get3A_3 = vector.shape_cast %get3A_2 : vector<1x1000x128xf32> to vector<1000x128xf32>
    %get3A_4 = arith.constant 1 : index
    %get3A_5 = arith.constant 0 : index
    %get3A_6 = arith.constant 0 : index
    %get3A_7 = vector.load %arg1[%get3A_4, %get3A_5, %get3A_6] : memref<2x1000x128xf32, #tpu.memory_space<vmem>>, vector<1x1000x128xf32>
    %get3A_8 = vector.shape_cast %get3A_7 : vector<1x1000x128xf32> to vector<1000x128xf32>
    %add3A = arith.addf %get3A_3, %get3A_8 : vector<1000x128xf32>
    %swap3A = arith.constant 0 : index
    %swap3A_9 = arith.constant 0 : index
    %swap3A_10 = vector.load %arg2[%swap3A, %swap3A_9] : memref<1000x128xf32, #tpu.memory_space<vmem>>, vector<1000x128xf32>
    tpu.vector_store %arg2[%swap3A, %swap3A_9], %add3A {strides = array<i32>} : memref<1000x128xf32, #tpu.memory_space<vmem>>, vector<1000x128xf32>,
    return
  }
  func.func @transform_0(%arg0: i32) -> (i32, i32, i32) {
    %c0_i32 = arith.constant 0 : i32
    %c0_i32_0 = arith.constant 0 : i32
    %c0_i32_1 = arith.constant 0 : i32
    return %c0_i32, %arg0, %c0_i32_0 : i32, i32, i32
  }
  func.func @transform_1(%arg0: i32) -> (i32, i32) {
    %c0_i32 = arith.constant 0 : i32
    %c0_i32_0 = arith.constant 0 : i32
    return %arg0, %c0_i32 : i32, i32
  }
}

</mosaic_0001>

<sc_bundles>
// kernel: kernel.5.cloned.1.call-start
scs
__scs_entry_jumppad:
0x0: {  	(pc) =	sbr.rel $0x88, $3  }
0x1: {  	(tag) =	ssettag $0x0;
	lr =	simm.s32 $0x1  }
0x2: {  	[smem:$0x3F9C] =	sst lr;
	_ =	strace $0xD0000000  }
0x3: {  	_ = 	snop  }
0x4: {  	_ = 	snop  }
0x5: {  	_ = 	snop  }
0x6: {  	_ = 	snop  }
0x7: {  	_ = 	snop  }
__scs_overlays_trampoline_lowered:
0x8: {  	[smem:$0x3FAB] =	sst s0  }
0x9: {  	[smem:$0x3FAC] =	sst s1  }
0xa: {  	[smem:$0x3FAD] =	sst s2  }
0xb: {  	[smem:$0x3FAE] =	sst s3  }
0xc: {  	[smem:$0x3FAF] =	sst s4  }
0xd: {  	[smem:$0x3FB0] =	sst s5  }
0xe: {  	[smem:$0x3FB1] =	sst s6  }
0xf: {  	[smem:$0x3FB2] =	sst s7  }
0x10: {  	[smem:$0x3FB3] =	sst s8  }
0x11: {  	[smem:$0x3FB4] =	sst s9;
	s0 =	simm.s32 @!p0 $0x0  }
0x12: {  	s1 =	sld [smem:$0x3F9A];
	s0 =	simm.s32 @p0 $0x1  }
0x13: {  	[smem:$0x3FB5] =	sst s0;
	s0 =	simm.s32 @!p1 $0x0  }
0x14: {  	s2 =	sld [smem:$0x3F99];
	s0 =	simm.s32 @p1 $0x1  }
0x15: {  	[smem:$0x3FB6] =	sst s0;
	s0 =	simm.s32 @!p2 $0x0  }
0x16: {  	s3 =	sld [smem:$0x3FDB];
	s0 =	simm.s32 @p2 $0x1  }
0x17: {  	s4 =	simm.s32 $0x1BF5;
	[smem:$0x3FB8] =	sst s0  }
0x18: {  	s0 =	sld [smem:$0x3F9B];
	_ =	swait.ge [sflag:s4], $0x0  }
0x19: {  	s7 =	sld [smem:$0x3F9C]  }
0x1a: {  	s8 =	sadd.s32 $0xFFFFE003, lr  }
0x1b: {  	s9 =	sadd.s32 $0xFFFFFEF7, lr;
	s5 =	simm.s32 $0xFFFFFFFF;
	p2 =	slt.u32 s8, $0xFFFFF086  }
0x1c: {  	p1 =	slt.u32 s9, $0xF7A;
	s5 =	simm.s32 @!p2 $0x0  }
0x1d: {  	s5 =	simm.s32 @p1 $0x1;
	p0 =	seq.s32 s7, s2  }
0x1e: {  	s7 =	smul.u32 @!p0 $0xF7A, s2;
	p2 =	seq.s32 @!p0 s5, $0x0  }
0x1f: {  	s9 =	smul.u32 $0xF7A, s1;
	s8 =	simm.s32 @!p0 $0x1BF5;
	p2 =	por !p2, p0  }
0x20: {  	[sflag:s8] =	ssyncset.s32 @!p0 $0xFFFFF086;
	s6 =	sadd.s32 @!p0 s3, s7;
	s7 =	simm.s32 @!p0 $0x108  }
0x21: {  	s3 =	sadd.s32 s3, s9;
	s6 =	sadd.s32 @!p0 $0x88, s6;
	s7 =	simm.s32 @p2 $0x1082  }
0x22: {  	[simem:s7], [sflag:s8] =	dma.local @!p0 [hbm:s6], $0xF7A  }
0x23: {  	s9 =	sor.u32 $0xD0000000, s2;
	s6 =	simm.s32 $0x108;
	_ =	swait.ge @!p0 [sflag:s8], $0x0  }
0x24: {  	s3 =	sadd.s32 $0x88, s3;
	s6 =	simm.s32 @!p1 $0x1082;
	[sflag:s4] =	ssyncset.s32 $0xFFFFF086  }
0x25: {  	[simem:s6], [sflag:s4] =	dma.local [hbm:s3], $0xF7A  }
0x26: {  	[smem:$0x3F9C] =	sst s1;
	(tag) =	ssettag s2;
	_ =	strace s9  }
0x27: {  	s1 =	sld [smem:$0x3FAC]  }
0x28: {  	s2 =	sld [smem:$0x3FAD]  }
0x29: {  	s4 =	sld [smem:$0x3FAF]  }
0x2a: {  	p0 =	seq.s32 s5, $0x0;
	s5 =	sld [smem:$0x3FB0]  }
0x2b: {  	s6 =	sld [smem:$0x3FB1]  }
0x2c: {  	s7 =	sld [smem:$0x3FB2]  }
0x2d: {  	s3 =	simm.s32 $0x108;
	s8 =	sld [smem:$0x3FB3]  }
0x2e: {  	s3 =	simm.s32 @!p0 $0x1082;
	s9 =	sld [smem:$0x3FB4]  }
0x2f: {  	lr =	sadd.s32 s0, s3;
	s0 =	sld [smem:$0x3FAB]  }
0x30: {  	s3 =	sld [smem:$0x3FAE]  }
0x31: {  	[smem:$0x3FB7] =	sst s10  }
0x32: {  	s10 =	sld [smem:$0x3FB5];
	_ =	sdelay $0x3  }
0x33: {  	p0 =	seq.s32 s10, $0x1;
	s10 =	sld [smem:$0x3FB7];
	_ =	sdelay $0x3  }
0x34: {  	[smem:$0x3FB7] =	sst s10  }
0x35: {  	s10 =	sld [smem:$0x3FB6];
	_ =	sdelay $0x3  }
0x36: {  	p1 =	seq.s32 s10, $0x1;
	s10 =	sld [smem:$0x3FB7];
	_ =	sdelay $0x3  }
0x37: {  	[smem:$0x3FB7] =	sst s10  }
0x38: {  	s10 =	sld [smem:$0x3FB8]  }
0x39: {  	_ = 	snop;
	(pc) =	sbr.ind lr, $3  }
0x3a: {  	_ = 	snop  }
0x3b: {  	_ = 	snop  }
0x3c: {  	p2 =	seq.s32 s10, $0x1;
	s10 =	sld [smem:$0x3FB7]  }
0x3d: {  	_ =	shalt  }
0x3e: {  	_ =	shalt  }
0x3f: {  	_ =	shalt  }
0x40: {  	_ =	shalt  }
0x41: {  	_ =	shalt  }
0x42: {  	_ =	shalt  }
0x43: {  	_ =	shalt  }
0x44: {  	_ =	shalt  }
0x45: {  	_ =	shalt  }
0x46: {  	_ =	shalt  }
0x47: {  	_ =	shalt  }
0x48: {  	_ =	shalt  }
0x49: {  	_ =	shalt  }
0x4a: {  	_ =	shalt  }
0x4b: {  	_ =	shalt  }
0x4c: {  	_ =	shalt  }
0x4d: {  	_ =	shalt  }
0x4e: {  	_ =	shalt  }
0x4f: {  	_ =	shalt  }
0x50: {  	_ =	shalt  }
0x51: {  	_ =	shalt  }
0x52: {  	_ =	shalt  }
0x53: {  	_ =	shalt  }
0x54: {  	_ =	shalt  }
0x55: {  	_ =	shalt  }
0x56: {  	_ =	shalt  }
0x57: {  	_ =	shalt  }
0x58: {  	_ =	shalt  }
0x59: {  	_ =	shalt  }
0x5a: {  	_ =	shalt  }
0x5b: {  	_ =	shalt  }
0x5c: {  	_ =	shalt  }
0x5d: {  	_ =	shalt  }
0x5e: {  	_ =	shalt  }
0x5f: {  	_ =	shalt  }
0x60: {  	_ =	shalt  }
0x61: {  	_ =	shalt  }
0x62: {  	_ =	shalt  }
0x63: {  	_ =	shalt  }
0x64: {  	_ =	shalt  }
0x65: {  	_ =	shalt  }
0x66: {  	_ =	shalt  }
0x67: {  	_ =	shalt  }
0x68: {  	_ =	shalt  }
0x69: {  	_ =	shalt  }
0x6a: {  	_ =	shalt  }
0x6b: {  	_ =	shalt  }
0x6c: {  	_ =	shalt  }
0x6d: {  	_ =	shalt  }
0x6e: {  	_ =	shalt  }
0x6f: {  	_ =	shalt  }
0x70: {  	_ =	shalt  }
0x71: {  	_ =	shalt  }
0x72: {  	_ =	shalt  }
0x73: {  	_ =	shalt  }
0x74: {  	_ =	shalt  }
0x75: {  	_ =	shalt  }
0x76: {  	_ =	shalt  }
0x77: {  	_ =	shalt  }
0x78: {  	_ =	shalt  }
0x79: {  	_ =	shalt  }
0x7a: {  	_ =	shalt  }
0x7b: {  	_ =	shalt  }
0x7c: {  	_ =	shalt  }
0x7d: {  	_ =	shalt  }
0x7e: {  	_ =	shalt  }
0x7f: {  	_ =	shalt  }
0x80: {  	_ =	shalt  }
0x81: {  	_ =	shalt  }
0x82: {  	_ =	shalt  }
0x83: {  	_ =	shalt  }
0x84: {  	_ =	shalt  }
0x85: {  	_ =	shalt  }
0x86: {  	_ =	shalt  }
0x87: {  	_ =	shalt  }
.Lfunc_end0:
.L_simem_size_0:
called_computation_lowered:
.L_overlay_start_0:
0x88: {  	s2 =	sld [smem:$0x3FD9]  }
0x89: {  	s3 =	sld [smem:$0x3FFE];
	_ =	sdelay $0x1  }
0x8a: {  	s1 =	srdreg.scid  }
0x8b: {  	s0 =	sand.u32 $0x1, s1  }
0x8c: {  	s17 =	sshll.u32 s0, $0xA;
	s2 =	sadd.s32 s3, s2  }
0x8d: {  	s2 =	sadd.s32 s2, s17  }
0x8e: {  	[smem:$0x3FC3] =	sst s2  }
0x8f: {  	_ = 	snop  }
0x90: {  	s2 =	sld [smem:$0x3FD0];
	(tm) =	ssettm $0x1  }
0x91: {  	s18 =	sld [smem:$0x3FFB];
	_ =	sdelay $0x3  }
0x92: {  	_ =	strace s18  }
0x93: {  	s3 =	sld [smem:$0x3FFC];
	_ =	sdelay $0x3  }
0x94: {  	_ =	strace s3  }
0x95: {  	s3 =	sld [smem:$0x3FFD];
	_ =	sdelay $0x3  }
0x96: {  	_ =	strace s3  }
0x97: {  	_ =	strace $0x8FFFFFFF  }
0x98: {  	s19 =	sld [smem:$0x3FDB];
	_ =	sdelay $0x1  }
0x99: {  	s4 =	simm.s32 $_scs_section_size  }
0x9a: {  	s5 =	simm.s32 $_size__tile_overlayer_lowered;
	s6 =	simm.s32 $_tile_overlayer_lowered  }
0x9b: {  	s22 =	simm.s32 $0x1BFF;
	s21 =	sshll.u32 s6, $0x1;
	s3 =	sadd.s32 s4, s19  }
0x9c: {  	s7 =	simm.s32 $0x0;
	s20 =	sshll.u32 s5, $0x1;
	s5 =	sadd.s32 s21, s3  }
0x9d: {  	[timem:s7], [sflag:s22] =	dma.local [hbm:s5], s20  }
0x9e: {  	_ =	swait.ge [sflag:s22], s20  }
0x9f: {  	s4 =	ssub.s32 $0x0, s20;
	[sflag:s22] =	ssyncset.done $0x0  }
0xa0: {  	[sflag:s22] =	ssyncadd.s32 s4;
	_ =	sdelay $0x1  }
0xa1: {  	s23 =	simm.s32 $0x1B8B  }
0xa2: {  	_ =	swait.ge [sflag:s23], $0x1  }
0xa3: {  	[sflag:s23] =	ssyncset.done $0x0  }
0xa4: {  	s25 =	simm.s32 $0x1B8E;
	s24 =	sld [smem:$0x3FFE];
	[sflag:s23] =	ssyncadd.s32 $0xFFFFFFFF  }
0xa5: {  	s26 =	simm.s32 $execute0_lowered;
	[smem:$0x3FD2] =	sst s25  }
0xa6: {  	s5 =	sshll.u32 s26, $0x1;
	_ =	strace $0x80000046;
	[dreg:$0x1] =	wrdreg $0xFFFFFFFF  }
0xa7: {  	s28 =	simm.s32 $_size_execute0_lowered;
	s3 =	sadd.s32 s3, s5;
	[dreg:$0x0] =	wrdreg $0x0  }
0xa8: {  	s5 =	sshll.u32 s28, $0x1;
	[dreg:$0x2] =	wrdreg s3  }
0xa9: {  	[dreg:$0x3] =	wrdreg s5  }
0xaa: {  	[dreg:$0x4] =	wrdreg $0xC0  }
0xab: {  	_ =	task [dreg:s7], $0x5FFFF  }
0xac: {  	[dreg:$0x1] =	wrdreg $0xFFFFFFFF  }
0xad: {  	[dreg:$0x0] =	wrdreg $0x60  }
0xae: {  	[dreg:$0x2] =	wrdreg s24  }
0xaf: {  	[dreg:$0x3] =	wrdreg s2  }
0xb0: {  	[dreg:$0x4] =	wrdreg $0xC6000  }
0xb1: {  	[dreg:$0x5] =	wrdreg $0x9  }
0xb2: {  	_ =	task.clear_ibuf [dreg:s7], $0x6FFFF;
	_ =	strace $0x90000046  }
0xb3: {  	s29 =	simm.s32 $0x9;
	_ =	strace $0x80000048  }
0xb4: {  	_ =	swait.ge [sflag:s29], $0x1  }
0xb5: {  	[sflag:s29] =	ssyncadd.s32 $0xFFFFFFFF  }
0xb6: {  	_ =	strace $0x90000048  }
0xb7: {  	_ =	sfence  }
0xb8: {  	s30 =	sld [smem:$0x0];
	_ =	sdelay $0x2  }
0xb9: {  	s31 =	sshll.u32 s1, $0xD;
	s1 =	sshrl.u32 s1, $0x2  }
0xba: {  	s3 =	sand.u32 $0x4000, s31;
	s1 =	sadd.s32 s1, s30  }
0xbb: {  	s0 =	sor.u32 s3, s0;
	s1 =	sshll.u32 s1, $0x11  }
0xbc: {  	s0 =	sor.u32 s1, s0  }
0xbd: {  	s0 =	sadd.s32 $0x8F2B, s0  }
0xbe: {  	[sflag:s0] =	ssyncadd.remote.s32 $0x1  }
0xbf: {  	_ =	sfence.sel $0xFFFF  }
0xc0: {  	[dreg:$0x0] =	wrdreg $0xFFFFFFFF;
	(pc) =	sbr.abs _section_cstart, $3  }
0xc1: {  	[dreg:$0x1] =	wrdreg $0xFFFFFFFF  }
0xc2: {  	_ =	task.clear_ibuf [dreg:s7], $0x2FFFF;
	_ =	strace $0x9FFFFFFF  }
0xc3: {  	(tm) =	ssettm $0x7FFFFFFF  }
tec
execute0_lowered:
.L_overlay_start_1:
0x0: {  	(tag) =	ssettag $0x1  }
0x1: {  	s0 =	rddreg [dreg:$0x0]  }
0x2: {  	s1 =	rddreg [dreg:$0x1]  }
0x3: {  	s3 =	rddreg [dreg:$0x2];
	s4 =	simm.s32 $0x0;
	s2 =	srdreg.scid  }
0x4: {  	s13 =	stileid.u32;
	s29 =	simm.s32 $0x2;
	s30 =	simm.s32 $0x3  }
0x5: {  	s31 =	simm.s32 $0x0;
	[smem:$0x7FF] =	sst s4;
	s16 =	smul.u32 $0x9E, s13  }
0x6: {  	s7 =	smul.u32 $0x4F000, s13;
	s5 =	sadd.s32 $0xA00, s0;
	s12 =	sadd.s32 $0x128400, s3  }
0x7: {  	s0 =	sadd.s32 $0x14400, s0;
	s21 =	sadd.s32 $0x12C400, s3;
	s22 =	smul.u32 $0x13C00, s13  }
0x8: {  	s2 =	sand.u32 $0x1, s2;
	s23 =	sadd.s32 $0x130400, s3;
	s24 =	sadd.s32 $0x134400, s3  }
0x9: {  	s25 =	sadd.s32 $0x138400, s3;
	_ =	strace $0x80000047;
	[dreg:$0x8] =	wrdreg s21  }
0xa: {  	s6 =	ssub.s32 $0x2, s2;
	s9 =	smul.u32 $0x66, s2;
	[dreg:$0xa] =	wrdreg s23  }
0xb: {  	p0 =	seq.s32 s2, $0x0;
	s2 =	smul.u32 $0x138800, s2;
	[dreg:$0xb] =	wrdreg s24  }
0xc: {  	[dreg:$0xc] =	wrdreg s25;
	s23 =	simm.s32 $0x1;
	s8 =	sshrl.u32 s6, $0x1  }
0xd: {  	s24 =	simm.s32 $0x80;
	s7 =	sshrl.u32 s7, $0x2;
	s10 =	ssub.s32 s6, s8  }
0xe: {  	s6 =	sadd.s32 s9, s16;
	s7 =	sadd.s32 s7, s3;
	s8 =	simm.s32 $0x66  }
0xf: {  	s28 =	sadd.s32 s22, s2;
	s2 =	sshrl.u32 s2, $0x3;
	s17 =	sadd.s32 $0x4000, s7  }
0x10: {  	s4 =	smul.u32 $0x30, s6;
	s18 =	sadd.s32 $0x8000, s7;
	[dreg:$0x4] =	wrdreg s17  }
0x11: {  	s19 =	sadd.s32 $0xC000, s7;
	s20 =	smul.u32 $0x180, s6;
	[dreg:$0x5] =	wrdreg s18  }
0x12: {  	s8 =	simm.s32 @!p0 $0x38;
	s11 =	sadd.s32 $0x10000, s7;
	[dreg:$0x6] =	wrdreg s19  }
0x13: {  	s9 =	sshrl.u32 s28, $0x3;
	p0 =	seq.s32 s13, $0xF;
	[dreg:$0x7] =	wrdreg s11  }
0x14: {  	s4 =	sadd.s32 s1, s4;
	s26 =	sshrl.u32 s20, $0x3;
	s20 =	sadd.s32 s0, s9  }
0x15: {  	s0 =	sadd.s32 s0, s2;
	[dreg:$0x9] =	wrdreg s4;
	s4 =	sadd.s32 s1, s26  }
0x16: {  	s2 =	sadd.s32 s22, s3;
	s22 =	smax.u32 s10, $0x1;
	s4 =	sadd.s32 $0x30, s4  }
0x17: {  	v0 =	vimm.f32 $0.0e+00;
	s21 =	sadd.s32 $0x25080, s0;
	s25 =	sshrl.u32 @!p0 s2, $0x3;
	[dreg:$0xd] =	wrdreg s4  }
.LBB2_1:
0x18: {  	s0 =	simm.s32 $0x0;
	s2 =	rddreg [dreg:$0x9]  }
0x19: {  	[tilespmem:s0], [sflag:$0x1] =	stream.linear.gather [hbm4b:s2+s0], $0x180, $0x38;
	[tilespmem:$0x1FE80] =	vst v63  }
0x1a: {  	s0 =	simm.s32 $0x4700  }
0x1b: {  	[tilespmem:s0+$0xFFFFFF00] =	vst v0  }
0x1c: {  	[tilespmem:s0+$0xF0] =	vst v0  }
0x1d: {  	[tilespmem:s0+$0xE0] =	vst v0  }
0x1e: {  	[tilespmem:s0+$0xD0] =	vst v0  }
0x1f: {  	[tilespmem:s0+$0xC0] =	vst v0  }
0x20: {  	[tilespmem:s0+$0xB0] =	vst v0  }
0x21: {  	[tilespmem:s0+$0xA0] =	vst v0  }
0x22: {  	[tilespmem:s0+$0x90] =	vst v0  }
0x23: {  	[tilespmem:s0+$0x80] =	vst v0  }
0x24: {  	[tilespmem:s0+$0x70] =	vst v0  }
0x25: {  	[tilespmem:s0+$0x60] =	vst v0  }
0x26: {  	[tilespmem:s0+$0x50] =	vst v0  }
0x27: {  	[tilespmem:s0+$0x40] =	vst v0  }
0x28: {  	[tilespmem:s0+$0x30] =	vst v0  }
0x29: {  	[tilespmem:s0+$0x20] =	vst v0  }
0x2a: {  	[tilespmem:s0+$0x10] =	vst v0  }
0x2b: {  	[tilespmem:s0+$0x0] =	vst v0  }
0x2c: {  	[tilespmem:s0+$0xFFFFFFF0] =	vst v0  }
0x2d: {  	[tilespmem:s0+$0xFFFFFFE0] =	vst v0  }
0x2e: {  	[tilespmem:s0+$0xFFFFFFD0] =	vst v0  }
0x2f: {  	[tilespmem:s0+$0xFFFFFFC0] =	vst v0  }
0x30: {  	[tilespmem:s0+$0xFFFFFFB0] =	vst v0  }
0x31: {  	[tilespmem:s0+$0xFFFFFFA0] =	vst v0  }
0x32: {  	[tilespmem:s0+$0xFFFFFF90] =	vst v0  }
0x33: {  	[tilespmem:s0+$0xFFFFFF80] =	vst v0  }
0x34: {  	[tilespmem:s0+$0xFFFFFF70] =	vst v0  }
0x35: {  	[tilespmem:s0+$0xFFFFFF60] =	vst v0  }
0x36: {  	[tilespmem:s0+$0xFFFFFF50] =	vst v0  }
0x37: {  	[tilespmem:s0+$0xFFFFFF40] =	vst v0  }
0x38: {  	[tilespmem:s0+$0xFFFFFF30] =	vst v0  }
0x39: {  	s2 =	simm.s32 $0x0;
	[tilespmem:s0+$0xFFFFFF20] =	vst v0  }
.LBB2_2:
0x3a: {  	s2 =	sadd.s32 $0x4, s2;
	[tilespmem:s0+$0xFFFFFF10] =	vst v0;
	s0 =	sadd.s32 $0x200, s0  }
0x3b: {  	[tilespmem:s0+$0xFFFFFF00] =	vst v0;
	p1 =	slt.u32 s2, $0x7C  }
0x3c: {  	[tilespmem:s0+$0xF0] =	vst v0  }
0x3d: {  	[tilespmem:s0+$0xE0] =	vst v0  }
0x3e: {  	[tilespmem:s0+$0xD0] =	vst v0  }
0x3f: {  	[tilespmem:s0+$0xC0] =	vst v0  }
0x40: {  	[tilespmem:s0+$0xB0] =	vst v0  }
0x41: {  	[tilespmem:s0+$0xA0] =	vst v0  }
0x42: {  	[tilespmem:s0+$0x90] =	vst v0  }
0x43: {  	[tilespmem:s0+$0x80] =	vst v0  }
0x44: {  	[tilespmem:s0+$0x70] =	vst v0  }
0x45: {  	[tilespmem:s0+$0x60] =	vst v0  }
0x46: {  	[tilespmem:s0+$0x50] =	vst v0  }
0x47: {  	[tilespmem:s0+$0x40] =	vst v0  }
0x48: {  	[tilespmem:s0+$0x30] =	vst v0  }
0x49: {  	[tilespmem:s0+$0x20] =	vst v0  }
0x4a: {  	[tilespmem:s0+$0x10] =	vst v0  }
0x4b: {  	[tilespmem:s0+$0x0] =	vst v0  }
0x4c: {  	[tilespmem:s0+$0xFFFFFFF0] =	vst v0  }
0x4d: {  	[tilespmem:s0+$0xFFFFFFE0] =	vst v0  }
0x4e: {  	[tilespmem:s0+$0xFFFFFFD0] =	vst v0  }
0x4f: {  	[tilespmem:s0+$0xFFFFFFC0] =	vst v0  }
0x50: {  	[tilespmem:s0+$0xFFFFFFB0] =	vst v0  }
0x51: {  	[tilespmem:s0+$0xFFFFFFA0] =	vst v0  }
0x52: {  	[tilespmem:s0+$0xFFFFFF90] =	vst v0  }
0x53: {  	[tilespmem:s0+$0xFFFFFF80] =	vst v0  }
0x54: {  	[tilespmem:s0+$0xFFFFFF70] =	vst v0  }
.Ltmp0:
0x55: {  	[tilespmem:s0+$0xFFFFFF60] =	vst v0;
	(pc) =	sbr.rel @p1 .LBB2_2-.Ltmp0, $4  }
0x56: {  	[tilespmem:s0+$0xFFFFFF50] =	vst v0  }
0x57: {  	[tilespmem:s0+$0xFFFFFF40] =	vst v0  }
0x58: {  	[tilespmem:s0+$0xFFFFFF30] =	vst v0  }
0x59: {  	[tilespmem:s0+$0xFFFFFF20] =	vst v0  }
0x5a: {  	[tilespmem:s0+$0xFFFFFF10] =	vst v0;
	s0 =	simm.s32 @p0 $0x4600;
	s2 =	simm.s32 @p0 $0x4  }
0x5b: {  	[spmem:s12] =	stream.linear.scatter @p0 [tilespmem:s0], [sflag:$0x4], $0x4000, $0x38;
	[tilespmem:$0x1FE80] =	vst v63  }
0x5c: {  	_ =	swait.ge @p0 [sflag:s2], $0x4000  }
0x5d: {  	[sflag:s2] =	ssyncset.done @p0 $0x0  }
0x5e: {  	s4 =	rddreg [dreg:$0x8];
	[sflag:s2] =	ssyncadd.s32 @p0 $0xFFFFC000  }
0x5f: {  	[spmem:s4] =	stream.linear.scatter @p0 [tilespmem:s0], [sflag:$0x4], $0x4000, $0x38;
	[tilespmem:$0x1FE80] =	vst v63  }
0x60: {  	_ =	swait.ge @p0 [sflag:s2], $0x4000  }
0x61: {  	[sflag:s2] =	ssyncset.done @p0 $0x0  }
0x62: {  	s4 =	rddreg [dreg:$0xa];
	[sflag:s2] =	ssyncadd.s32 @p0 $0xFFFFC000  }
0x63: {  	[spmem:s4] =	stream.linear.scatter @p0 [tilespmem:s0], [sflag:$0x4], $0x4000, $0x38;
	[tilespmem:$0x1FE80] =	vst v63  }
0x64: {  	_ =	swait.ge @p0 [sflag:s2], $0x4000  }
0x65: {  	[sflag:s2] =	ssyncset.done @p0 $0x0  }
0x66: {  	s4 =	rddreg [dreg:$0xb];
	[sflag:s2] =	ssyncadd.s32 @p0 $0xFFFFC000  }
0x67: {  	[spmem:s4] =	stream.linear.scatter @p0 [tilespmem:s0], [sflag:$0x4], $0x4000, $0x38;
	[tilespmem:$0x1FE80] =	vst v63  }
0x68: {  	_ =	swait.ge @p0 [sflag:s2], $0x4000  }
0x69: {  	[sflag:s2] =	ssyncset.done @p0 $0x0  }
0x6a: {  	s4 =	rddreg [dreg:$0xc];
	[sflag:s2] =	ssyncadd.s32 @p0 $0xFFFFC000  }
0x6b: {  	[spmem:s4] =	stream.linear.scatter @p0 [tilespmem:s0], [sflag:$0x4], $0x400, $0x38;
	[tilespmem:$0x1FE80] =	vst v63  }
0x6c: {  	_ =	swait.ge @p0 [sflag:s2], $0x400  }
0x6d: {  	[sflag:s2] =	ssyncset.done @p0 $0x0  }
0x6e: {  	s0 =	simm.s32 @!p0 $0x4600;
	[sflag:s2] =	ssyncadd.s32 @p0 $0xFFFFFC00;
	s2 =	simm.s32 @!p0 $0x4  }
0x6f: {  	[spmem:s7] =	stream.linear.scatter @!p0 [tilespmem:s0], [sflag:$0x4], $0x4000, $0x38;
	[tilespmem:$0x1FE80] =	vst v63  }
0x70: {  	_ =	swait.ge @!p0 [sflag:s2], $0x4000  }
0x71: {  	[sflag:s2] =	ssyncset.done @!p0 $0x0  }
0x72: {  	s4 =	rddreg [dreg:$0x4];
	[sflag:s2] =	ssyncadd.s32 @!p0 $0xFFFFC000  }
0x73: {  	[spmem:s4] =	stream.linear.scatter @!p0 [tilespmem:s0], [sflag:$0x4], $0x4000, $0x38;
	[tilespmem:$0x1FE80] =	vst v63  }
0x74: {  	_ =	swait.ge @!p0 [sflag:s2], $0x4000  }
0x75: {  	[sflag:s2] =	ssyncset.done @!p0 $0x0  }
0x76: {  	s4 =	rddreg [dreg:$0x5];
	[sflag:s2] =	ssyncadd.s32 @!p0 $0xFFFFC000  }
0x77: {  	[spmem:s4] =	stream.linear.scatter @!p0 [tilespmem:s0], [sflag:$0x4], $0x4000, $0x38;
	[tilespmem:$0x1FE80] =	vst v63  }
0x78: {  	_ =	swait.ge @!p0 [sflag:s2], $0x4000  }
0x79: {  	[sflag:s2] =	ssyncset.done @!p0 $0x0  }
0x7a: {  	s4 =	rddreg [dreg:$0x6];
	[sflag:s2] =	ssyncadd.s32 @!p0 $0xFFFFC000  }
0x7b: {  	[spmem:s4] =	stream.linear.scatter @!p0 [tilespmem:s0], [sflag:$0x4], $0x4000, $0x38;
	[tilespmem:$0x1FE80] =	vst v63  }
0x7c: {  	_ =	swait.ge @!p0 [sflag:s2], $0x4000  }
0x7d: {  	[sflag:s2] =	ssyncset.done @!p0 $0x0  }
0x7e: {  	s4 =	rddreg [dreg:$0x7];
	[sflag:s2] =	ssyncadd.s32 @!p0 $0xFFFFC000  }
0x7f: {  	[spmem:s4] =	stream.linear.scatter @!p0 [tilespmem:s0], [sflag:$0x4], $0x3C00, $0x38;
	[tilespmem:$0x1FE80] =	vst v63  }
0x80: {  	_ =	swait.ge @!p0 [sflag:s2], $0x3C00  }
0x81: {  	[sflag:s2] =	ssyncset.done @!p0 $0x0  }
0x82: {  	[sflag:s2] =	ssyncadd.s32 @!p0 $0xFFFFC400  }
0x83: {  	[bflag:$0x0] =	sbarrier.arrive $0xFFFF  }
0x84: {  	_ =	swait.ge [sflag:s23], $0x180  }
0x85: {  	s19 =	simm.s32 $0x600;
	[sflag:s23] =	ssyncset.done $0x0  }
0x86: {  	s28 =	simm.s32 $0x180;
	s0 =	simm.s32 $0x0;
	[sflag:s23] =	ssyncadd.s32 $0xFFFFFE80  }
0x87: {  	[tilespmem:s19], [sflag:$0x2] =	stream.indirect.gather [hbm4b:s5+s24], $0x40, s0, s24, $0xb8;
	[tilespmem:$0x1FE80] =	vst v63  }
0x88: {  	p1 =	por $0x0, $0x0;
	s4 =	simm.s32 $0x0;
	s26 =	rddreg [dreg:$0xd]  }
0x89: {  	[tilespmem:s28], [sflag:$0x1] =	stream.linear.gather [hbm4b:s26+s0], $0x180, $0x38;
	[tilespmem:$0x1FE80] =	vst v63  }
.LBB2_4:
0x8a: {  	s2 =	smov.u32 s4;
	_ =	swait.ge [sflag:s29], $0x2000;
	s4 =	sadd.s32 $0x1, s4  }
0x8b: {  	[sflag:s29] =	ssyncset.done $0x0;
	p2 =	sge.u32 s4, s8  }
0x8c: {  	[sflag:s29] =	ssyncadd.s32 $0xFFFFE000;
	s9 =	simm.s32 @!p2 $0x1  }
0x8d: {  	p3 =	seq.s32 @!p2 s2, $0x0;
	_ =	swait.ge @!p2 [sflag:s9], $0x180  }
0x8e: {  	p3 =	por p3, p2;
	[sflag:s9] =	ssyncset.done @!p2 $0x0  }
0x8f: {  	[sflag:s9] =	ssyncadd.s32 @!p2 $0xFFFFFE80;
	s9 =	simm.s32 @!p3 $0x3  }
0x90: {  	s11 =	sand.u32 $0x1, s2;
	s10 =	sand.u32 @!p2 $0x3, s4;
	_ =	swait.ge @!p3 [sflag:s9], $0x4000  }
0x91: {  	s13 =	sshll.u32 @!p2 s11, $0xD;
	s10 =	smul.u32 @!p2 $0x600, s10;
	[sflag:s9] =	ssyncset.done @!p3 $0x0  }
0x92: {  	[sflag:s9] =	ssyncadd.s32 @!p3 $0xFFFFC000;
	s9 =	sxor.u32 @!p2 $0x2000, s13  }
0x93: {  	s10 =	sshrl.u32 @!p2 s10, $0x2;
	s13 =	simm.s32 @!p2 $0x80;
	s9 =	sor.u32 @!p2 $0x600, s9  }
0x94: {  	[tilespmem:s9], [sflag:$0x2] =	stream.indirect.gather @!p2 [hbm4b:s5+s13], $0x40, s10, s13, $0xb8;
	[tilespmem:$0x1FE80] =	vst v63  }
0x95: {  	s26 =	sand.u32 $0x3, s2;
	s9 =	sadd.s32 $0x2, s2  }
0x96: {  	s10 =	smul.u32 $0x600, s26;
	p2 =	sge.u32 s9, s8  }
0x97: {  	s2 =	sadd.s32 @!p2 s6, s2  }
0x98: {  	s26 =	sshrl.u32 s10, $0x2;
	s2 =	smul.u32 @!p2 $0x180, s2  }
0x99: {  	s9 =	sand.u32 @!p2 $0x3, s9;
	s10 =	sadd.s32 $0x100, s26  }
0x9a: {  	s14 =	simm.s32 $0x1;
	s9 =	smul.u32 @!p2 $0x600, s9;
	v1 =	vmov s10;
	s2 =	sshrl.u32 @!p2 s2, $0x3  }
0x9b: {  	s14 =	simm.s32 @!p1 $0x0;
	s13 =	sand.u32 $0x1C0, s0;
	s2 =	sadd.s32 @!p2 s1, s2  }
0x9c: {  	s10 =	simm.s32 @!p2 $0x0;
	s9 =	sshrl.u32 @!p2 s9, $0x2;
	s2 =	sadd.s32 @!p2 $0x60, s2  }
0x9d: {  	[tilespmem:s9], [sflag:$0x1] =	stream.linear.gather @!p2 [hbm4b:s2+s10], $0x180, $0x38;
	[tilespmem:$0x1FE80] =	vst v63  }
0x9e: {  	s15 =	sshll.u32 s14, $0xD;
	s2 =	sshrl.u32 s13, $0x2  }
0x9f: {  	s13 =	sor.u32 $0x680, s15;
	v2 =	vld.idx.msk [tilespmem:v1+s2+$0x0 ss:$0x1], $0xffff  }
0xa0: {  	v3 =	vld [tilespmem:s13+$0x40];
	_ =	sdelay $0x1  }
0xa1: {  	s16 =	simm.s32 $0x3;
	v4 =	vld [tilespmem:s13+$0xFFFFFF80]  }
0xa2: {  	s17 =	simm.s32 $0x0;
	v5 =	vmov s16  }
0xa3: {  	s18 =	sand.u32 $0xC, s17;
	v6 =	vperm.xlane v2, v5  }
0xa4: {  	v10 =	vld [tilespmem:s13+$0xFFFFFFC0];
	v5 =	vmov s18;
	v7 =	vshll.u32 v3, $0x10  }
0xa5: {  	s19 =	simm.s32 $0x1;
	s10 =	sshll.u32 s14, $0xE;
	v3 =	vand.u32 $0xFFFF0000, v3;
	v9 =	vperm.xlane v2, v5;
	v5 =	vld [tilespmem:s13+$0x0];
	v8 =	vmul.f32 v7, v6  }
0xa6: {  	s9 =	sand.u32 $0xD, s19;
	s14 =	simm.s32 $0x2;
	s28 =	sadd.s32 $0x4700, s10;
	v11 =	vshll.u32 v4, $0x10;
	v3 =	vmul.f32 v3, v6  }
0xa7: {  	s2 =	sand.u32 $0xE, s14;
	v4 =	vand.u32 $0xFFFF0000, v4;
	v7 =	vmov s9;
	v11 =	vmul.f32 v11, v9;
	[tilespmem:s28+$0x80] =	vst v8  }
0xa8: {  	v7 =	vperm.xlane v2, v7;
	v4 =	vmul.f32 v4, v9;
	v8 =	vmov s2;
	[tilespmem:s28+$0x90] =	vst v3  }
0xa9: {  	v12 =	vshll.u32 v10, $0x10;
	v8 =	vperm.xlane v2, v8;
	v2 =	vand.u32 $0xFFFF0000, v10;
	v10 =	vld [tilespmem:s13+$0x50];
	[tilespmem:s28+$0xFFFFFF00] =	vst v11  }
0xaa: {  	v3 =	vmul.f32 v12, v7;
	[tilespmem:s28+$0xFFFFFF10] =	vst v4;
	v11 =	vshll.u32 v5, $0x10  }
0xab: {  	v2 =	vmul.f32 v2, v7;
	v4 =	vand.u32 $0xFFFF0000, v5;
	v5 =	vmul.f32 v11, v8;
	v11 =	vld [tilespmem:s13+$0xFFFFFF90]  }
0xac: {  	[tilespmem:s28+$0xFFFFFF80] =	vst v3  }
0xad: {  	v3 =	vmul.f32 v4, v8;
	[tilespmem:s28+$0xFFFFFF90] =	vst v2  }
0xae: {  	v2 =	vld [tilespmem:s13+$0xFFFFFFD0];
	[tilespmem:s28+$0x0] =	vst v5;
	v4 =	vshll.u32 v10, $0x10  }
0xaf: {  	[tilespmem:s28+$0x10] =	vst v3;
	v3 =	vand.u32 $0xFFFF0000, v10;
	v4 =	vmul.f32 v4, v6  }
0xb0: {  	v5 =	vld [tilespmem:s13+$0x10];
	v3 =	vmul.f32 v3, v6;
	v10 =	vshll.u32 v11, $0x10  }
0xb1: {  	v11 =	vand.u32 $0xFFFF0000, v11;
	[tilespmem:s28+$0xA0] =	vst v4;
	v4 =	vmul.f32 v10, v9  }
0xb2: {  	v10 =	vmul.f32 v11, v9;
	[tilespmem:s28+$0xB0] =	vst v3  }
0xb3: {  	v3 =	vshll.u32 v2, $0x10;
	v11 =	vld [tilespmem:s13+$0x60];
	[tilespmem:s28+$0xFFFFFF20] =	vst v4  }
0xb4: {  	v2 =	vand.u32 $0xFFFF0000, v2;
	v3 =	vmul.f32 v3, v7;
	[tilespmem:s28+$0xFFFFFF30] =	vst v10  }
0xb5: {  	v2 =	vmul.f32 v2, v7;
	v4 =	vshll.u32 v5, $0x10;
	v10 =	vld [tilespmem:s13+$0xFFFFFFA0]  }
0xb6: {  	v5 =	vand.u32 $0xFFFF0000, v5;
	[tilespmem:s28+$0xFFFFFFA0] =	vst v3;
	v3 =	vmul.f32 v4, v8  }
0xb7: {  	v4 =	vmul.f32 v5, v8;
	[tilespmem:s28+$0xFFFFFFB0] =	vst v2  }
0xb8: {  	s15 =	simm.s32 $0x10;
	v2 =	vld [tilespmem:s13+$0xFFFFFFE0];
	[tilespmem:s28+$0x20] =	vst v3;
	v3 =	vshll.u32 v11, $0x10  }
0xb9: {  	s2 =	sand.u32 $0x1C0, s15;
	[tilespmem:s28+$0x30] =	vst v4;
	v4 =	vand.u32 $0xFFFF0000, v11;
	v3 =	vmul.f32 v3, v6  }
0xba: {  	s2 =	sshrl.u32 s2, $0x2;
	v5 =	vld [tilespmem:s13+$0x20];
	v4 =	vmul.f32 v4, v6;
	v11 =	vshll.u32 v10, $0x10  }
0xbb: {  	v12 =	vld.idx.msk [tilespmem:v1+s2+$0x0 ss:$0x1], $0xffff;
	s2 =	sadd.s32 $0x100, s13;
	v10 =	vand.u32 $0xFFFF0000, v10;
	[tilespmem:s28+$0xC0] =	vst v3;
	v3 =	vmul.f32 v11, v9  }
0xbc: {  	v11 =	vld [tilespmem:s2+$0x40];
	v10 =	vmul.f32 v10, v9;
	[tilespmem:s28+$0xD0] =	vst v4  }
0xbd: {  	v4 =	vshll.u32 v2, $0x10;
	[tilespmem:s28+$0xFFFFFF40] =	vst v3  }
0xbe: {  	s16 =	simm.s32 $0x7;
	v2 =	vand.u32 $0xFFFF0000, v2;
	v3 =	vmul.f32 v4, v7;
	[tilespmem:s28+$0xFFFFFF50] =	vst v10;
	v10 =	vld [tilespmem:s2+$0xFFFFFF80]  }
0xbf: {  	v14 =	vmov s16;
	s10 =	simm.s32 $0x4;
	v4 =	vmul.f32 v2, v7;
	v2 =	vshll.u32 v5, $0x10  }
0xc0: {  	s17 =	sand.u32 $0xC, s10;
	v5 =	vand.u32 $0xFFFF0000, v5;
	[tilespmem:s28+$0xFFFFFFC0] =	vst v3;
	v3 =	vmul.f32 v2, v8;
	v2 =	vperm.xlane v12, v14;
	v14 =	vld [tilespmem:s2+$0xFFFFFFC0]  }
0xc1: {  	v15 =	vmov s17;
	s18 =	simm.s32 $0x5;
	v5 =	vmul.f32 v5, v8;
	[tilespmem:s28+$0xFFFFFFD0] =	vst v4;
	v4 =	vshll.u32 v11, $0x10  }
0xc2: {  	s14 =	sand.u32 $0xD, s18;
	v11 =	vand.u32 $0xFFFF0000, v11;
	[tilespmem:s28+$0x40] =	vst v3;
	v4 =	vmul.f32 v4, v2;
	v3 =	vperm.xlane v12, v15;
	v15 =	vld [tilespmem:s2+$0x0]  }
0xc3: {  	s9 =	sadd.s32 $0x200, s28;
	s15 =	simm.s32 $0x6;
	[tilespmem:s28+$0x50] =	vst v5;
	v5 =	vmul.f32 v11, v2;
	v11 =	vmov s14;
	v17 =	vshll.u32 v10, $0x10  }
0xc4: {  	s19 =	sand.u32 $0xE, s15;
	v18 =	vld [tilespmem:s13+$0xFFFFFFB0];
	v10 =	vand.u32 $0xFFFF0000, v10;
	[tilespmem:s9+$0x80] =	vst v4;
	v4 =	vperm.xlane v12, v11;
	v11 =	vmul.f32 v17, v3  }
0xc5: {  	[tilespmem:s9+$0x90] =	vst v5;
	v5 =	vmov s19;
	v10 =	vmul.f32 v10, v3;
	v56 =	vshll.u32 v14, $0x10  }
0xc6: {  	v57 =	vld [tilespmem:s2+$0x50];
	v5 =	vperm.xlane v12, v5;
	v12 =	vand.u32 $0xFFFF0000, v14;
	v14 =	vmul.f32 v56, v4;
	[tilespmem:s9+$0xFFFFFF00] =	vst v11  }
0xc7: {  	v13 =	vld [tilespmem:s13+$0x70];
	v12 =	vmul.f32 v12, v4;
	[tilespmem:s9+$0xFFFFFF10] =	vst v10;
	v11 =	vshll.u32 v15, $0x10  }
0xc8: {  	v10 =	vand.u32 $0xFFFF0000, v15;
	v15 =	vld [tilespmem:s2+$0xFFFFFF90];
	v11 =	vmul.f32 v11, v5;
	[tilespmem:s9+$0xFFFFFF80] =	vst v14  }
0xc9: {  	v58 =	vshll.u32 v18, $0x10;
	v14 =	vld [tilespmem:s13+$0xFFFFFFF0];
	v10 =	vmul.f32 v10, v5;
	[tilespmem:s9+$0xFFFFFF90] =	vst v12  }
0xca: {  	v60 =	vand.u32 $0xFFFF0000, v18;
	v12 =	vmul.f32 v58, v9;
	v59 =	vld [tilespmem:s2+$0xFFFFFFD0];
	[tilespmem:s9+$0x0] =	vst v11  }
0xcb: {  	v9 =	vmul.f32 v60, v9;
	v11 =	vshll.u32 v57, $0x10;
	[tilespmem:s9+$0x10] =	vst v10  }
0xcc: {  	v10 =	vand.u32 $0xFFFF0000, v57;
	[tilespmem:s28+$0xFFFFFF60] =	vst v12;
	v11 =	vmul.f32 v11, v2;
	v61 =	vld [tilespmem:s2+$0x10]  }
0xcd: {  	v19 =	vld [tilespmem:s13+$0x30];
	[tilespmem:s28+$0xFFFFFF70] =	vst v9;
	v10 =	vmul.f32 v10, v2;
	v12 =	vshll.u32 v15, $0x10  }
0xce: {  	v16 =	vand.u32 $0xFFFF0000, v13;
	[tilespmem:s9+$0xA0] =	vst v11;
	v11 =	vand.u32 $0xFFFF0000, v15;
	v12 =	vmul.f32 v12, v3  }
0xcf: {  	[tilespmem:s9+$0xB0] =	vst v10;
	v10 =	vshll.u32 v14, $0x10;
	v11 =	vmul.f32 v11, v3;
	v15 =	vshll.u32 v59, $0x10  }
0xd0: {  	v9 =	vand.u32 $0xFFFF0000, v14;
	v62 =	vld [tilespmem:s2+$0x60];
	v14 =	vand.u32 $0xFFFF0000, v59;
	[tilespmem:s9+$0xFFFFFF20] =	vst v12;
	v12 =	vmul.f32 v15, v4  }
0xd1: {  	v16 =	vmul.f32 v16, v6;
	v14 =	vmul.f32 v14, v4;
	[tilespmem:s9+$0xFFFFFF30] =	vst v11;
	v63 =	vshll.u32 v61, $0x10  }
0xd2: {  	v11 =	vmul.f32 v10, v7;
	v10 =	vmul.f32 v9, v7;
	[tilespmem:s9+$0xFFFFFFA0] =	vst v12;
	v12 =	vand.u32 $0xFFFF0000, v19  }
0xd3: {  	[tilespmem:s28+$0xF0] =	vst v16;
	v18 =	vand.u32 $0xFFFF0000, v61;
	v16 =	vmul.f32 v63, v5;
	v7 =	vmul.f32 v12, v8;
	v12 =	vld [tilespmem:s2+$0xFFFFFFA0]  }
0xd4: {  	s11 =	sshll.u32 s11, $0xE;
	v15 =	vshll.u32 v19, $0x10;
	v18 =	vmul.f32 v18, v5;
	[tilespmem:s9+$0xFFFFFFB0] =	vst v14  }
0xd5: {  	s11 =	sadd.s32 $0x4600, s11;
	v13 =	vshll.u32 v13, $0x10;
	v9 =	vmul.f32 v15, v8;
	v8 =	vld [tilespmem:s2+$0xFFFFFFE0];
	[tilespmem:s9+$0x20] =	vst v16;
	v15 =	vshll.u32 v62, $0x10  }
0xd6: {  	s15 =	simm.s32 $0x20;
	s14 =	smov.u32 s2;
	v6 =	vmul.f32 v13, v6;
	s13 =	smov.u32 s9;
	[tilespmem:s9+$0x30] =	vst v18;
	v14 =	vand.u32 $0xFFFF0000, v62;
	v13 =	vmul.f32 v15, v2  }
.LBB2_5:
0xd7: {  	s16 =	sand.u32 $0x1C0, s15;
	v15 =	vld [tilespmem:s2+$0x20];
	v14 =	vmul.f32 v14, v2;
	[tilespmem:s28+$0xFFFFFFE0] =	vst v11;
	s17 =	smov.u32 s10  }
0xd8: {  	s16 =	sshrl.u32 s16, $0x2;
	v11 =	vshll.u32 v12, $0x10;
	v12 =	vand.u32 $0xFFFF0000, v12;
	[tilespmem:s9+$0xC0] =	vst v13  }
0xd9: {  	v13 =	vld.idx.msk [tilespmem:v1+s16+$0x0 ss:$0x1], $0xffff;
	v11 =	vmul.f32 v11, v3;
	v12 =	vmul.f32 v12, v3;
	[tilespmem:s9+$0xD0] =	vst v14  }
0xda: {  	v14 =	vshll.u32 v8, $0x10;
	v8 =	vand.u32 $0xFFFF0000, v8;
	v16 =	vld [tilespmem:s2+$0x70];
	[tilespmem:s28+$0xFFFFFFF0] =	vst v10  }
0xdb: {  	s10 =	sadd.s32 $0x4, s10;
	s2 =	sadd.s32 $0x100, s2;
	[tilespmem:s9+$0xFFFFFF40] =	vst v11;
	v10 =	vmul.f32 v14, v4;
	v8 =	vmul.f32 v8, v4  }
0xdc: {  	s18 =	sadd.s32 $0x5, s17;
	s19 =	sadd.s32 $0x6, s17;
	s16 =	sand.u32 $0xC, s10;
	v11 =	vld [tilespmem:s2+$0x40];
	[tilespmem:s9+$0xFFFFFF50] =	vst v12;
	v12 =	vshll.u32 v15, $0x10;
	v14 =	vand.u32 $0xFFFF0000, v15  }
0xdd: {  	p2 =	slt.u32 s10, $0x7C;
	v15 =	vmov s16;
	s16 =	sand.u32 $0xD, s18;
	s18 =	sand.u32 $0xE, s19;
	v17 =	vld [tilespmem:s2+$0xFFFFFF80];
	[tilespmem:s9+$0xFFFFFFC0] =	vst v10;
	v10 =	vmul.f32 v12, v5;
	v12 =	vmul.f32 v14, v5  }
0xde: {  	v14 =	vmov s16;
	v19 =	vmov s18;
	s16 =	sadd.s32 $0x7, s17;
	v18 =	vld [tilespmem:s2+$0xFFFFFFC0];
	[tilespmem:s9+$0xFFFFFFD0] =	vst v8  }
0xdf: {  	v8 =	vperm.xlane v13, v15;
	v20 =	vmov s16;
	v15 =	vld [tilespmem:s2+$0x0];
	[tilespmem:s9+$0x40] =	vst v10;
	v10 =	vand.u32 $0xFFFF0000, v16  }
0xe0: {  	v20 =	vperm.xlane v13, v20;
	v21 =	vld [tilespmem:s14+$0xFFFFFFB0];
	[tilespmem:s9+$0x50] =	vst v12;
	v12 =	vshll.u32 v16, $0x10;
	v10 =	vmul.f32 v10, v2  }
0xe1: {  	v14 =	vperm.xlane v13, v14;
	v13 =	vperm.xlane v13, v19;
	v16 =	vshll.u32 v11, $0x10;
	v19 =	vld [tilespmem:s14+$0xFFFFFFF0];
	[tilespmem:s28+$0x60] =	vst v9  }
0xe2: {  	v11 =	vand.u32 $0xFFFF0000, v11;
	v9 =	vshll.u32 v17, $0x10;
	v16 =	vmul.f32 v16, v20;
	v22 =	vld [tilespmem:s14+$0x30];
	[tilespmem:s9+$0xF0] =	vst v10;
	s14 =	smov.u32 s2  }
0xe3: {  	v10 =	vand.u32 $0xFFFF0000, v17;
	v11 =	vmul.f32 v11, v20;
	s9 =	sadd.s32 $0x200, s9;
	v17 =	vshll.u32 v18, $0x10;
	[tilespmem:s28+$0x70] =	vst v7  }
0xe4: {  	v7 =	vand.u32 $0xFFFF0000, v18;
	v18 =	vshll.u32 v15, $0x10;
	v15 =	vand.u32 $0xFFFF0000, v15;
	[tilespmem:s9+$0x80] =	vst v16  }
0xe5: {  	v9 =	vmul.f32 v9, v8;
	v10 =	vmul.f32 v10, v8;
	[tilespmem:s9+$0x90] =	vst v11;
	v11 =	vshll.u32 v21, $0x10  }
0xe6: {  	v16 =	vmul.f32 v17, v14;
	v7 =	vmul.f32 v7, v14;
	v21 =	vand.u32 $0xFFFF0000, v21;
	v17 =	vld [tilespmem:s2+$0x50];
	[tilespmem:s28+$0xE0] =	vst v6;
	s28 =	smov.u32 s13;
	s13 =	smov.u32 s9  }
0xe7: {  	v15 =	vmul.f32 v15, v13;
	v6 =	vmul.f32 v18, v13;
	[tilespmem:s9+$0xFFFFFF00] =	vst v9;
	v9 =	vshll.u32 v19, $0x10  }
0xe8: {  	v18 =	vshll.u32 v22, $0x10;
	[tilespmem:s9+$0xFFFFFF10] =	vst v10;
	v10 =	vand.u32 $0xFFFF0000, v19;
	v19 =	vand.u32 $0xFFFF0000, v22  }
0xe9: {  	v21 =	vmul.f32 v21, v3;
	v22 =	vld [tilespmem:s2+$0xFFFFFF90];
	[tilespmem:s9+$0xFFFFFF80] =	vst v16;
	v16 =	vmul.f32 v11, v3;
	v3 =	vmov v8  }
0xea: {  	v11 =	vmul.f32 v9, v4;
	v10 =	vmul.f32 v10, v4;
	v4 =	vmov v14;
	[tilespmem:s9+$0xFFFFFF90] =	vst v7  }
0xeb: {  	v9 =	vmul.f32 v18, v5;
	v7 =	vmul.f32 v19, v5;
	v5 =	vmovc v13;
	v8 =	vld [tilespmem:s2+$0xFFFFFFD0];
	[tilespmem:s9+$0x0] =	vst v6;
	v6 =	vshll.u32 v17, $0x10  }
0xec: {  	v13 =	vand.u32 $0xFFFF0000, v17;
	[tilespmem:s9+$0x10] =	vst v15;
	v14 =	vmul.f32 v6, v20;
	v6 =	vmul.f32 v12, v2;
	v2 =	vmovc v20  }
0xed: {  	v12 =	vld [tilespmem:s2+$0x10];
	v13 =	vmul.f32 v13, v2;
	[tilespmem:s28+$0xFFFFFF60] =	vst v16  }
0xee: {  	v15 =	vshll.u32 v22, $0x10;
	v16 =	vand.u32 $0xFFFF0000, v22;
	[tilespmem:s9+$0xA0] =	vst v14  }
0xef: {  	v14 =	vmul.f32 v15, v3;
	v15 =	vmul.f32 v16, v3;
	[tilespmem:s9+$0xB0] =	vst v13  }
0xf0: {  	v13 =	vshll.u32 v8, $0x10;
	v8 =	vand.u32 $0xFFFF0000, v8;
	v16 =	vld [tilespmem:s2+$0x60];
	[tilespmem:s28+$0xFFFFFF70] =	vst v21  }
0xf1: {  	[tilespmem:s9+$0xFFFFFF20] =	vst v14;
	v13 =	vmul.f32 v13, v4;
	v8 =	vmul.f32 v8, v4  }
.Ltmp1:
0xf2: {  	[tilespmem:s9+$0xFFFFFF30] =	vst v15;
	v14 =	vshll.u32 v12, $0x10;
	v15 =	vand.u32 $0xFFFF0000, v12;
	(pc) =	sbr.rel @p2 .LBB2_5-.Ltmp1, $4  }
0xf3: {  	v12 =	vld [tilespmem:s2+$0xFFFFFFA0];
	[tilespmem:s9+$0xFFFFFFA0] =	vst v13;
	v13 =	vmul.f32 v14, v5;
	v14 =	vmul.f32 v15, v5  }
0xf4: {  	[tilespmem:s9+$0xFFFFFFB0] =	vst v8  }
0xf5: {  	v8 =	vld [tilespmem:s2+$0xFFFFFFE0];
	[tilespmem:s9+$0x20] =	vst v13;
	v13 =	vshll.u32 v16, $0x10  }
0xf6: {  	s15 =	sadd.s32 $0x10, s15;
	[tilespmem:s9+$0x30] =	vst v14;
	v14 =	vand.u32 $0xFFFF0000, v16;
	v13 =	vmul.f32 v13, v2  }
0xf7: {  	[tilespmem:s28+$0xFFFFFFE0] =	vst v11  }
0xf8: {  	v1 =	vld [tilespmem:s2+$0x20];
	v14 =	vmul.f32 v14, v2;
	[tilespmem:s28+$0xFFFFFFF0] =	vst v10  }
0xf9: {  	v48 =	vshll.u32 v12, $0x10;
	[tilespmem:s9+$0xC0] =	vst v13  }
0xfa: {  	v49 =	vand.u32 $0xFFFF0000, v12;
	v11 =	vmul.f32 v48, v3;
	[tilespmem:s9+$0xD0] =	vst v14  }
0xfb: {  	[tilespmem:s28+$0x60] =	vst v9;
	v12 =	vmul.f32 v49, v3;
	v50 =	vshll.u32 v8, $0x10;
	v14 =	vld [tilespmem:s2+$0x70]  }
0xfc: {  	v51 =	vand.u32 $0xFFFF0000, v8;
	[tilespmem:s9+$0xFFFFFF40] =	vst v11;
	v52 =	vmul.f32 v50, v4  }
0xfd: {  	v8 =	vmul.f32 v51, v4;
	[tilespmem:s9+$0xFFFFFF50] =	vst v12;
	v53 =	vshll.u32 v1, $0x10  }
0xfe: {  	v1 =	vand.u32 $0xFFFF0000, v1;
	v55 =	vld [tilespmem:s14+$0xFFFFFFB0];
	[tilespmem:s9+$0xFFFFFFC0] =	vst v52;
	v54 =	vmul.f32 v53, v5  }
0xff: {  	v1 =	vmul.f32 v1, v5;
	[tilespmem:s9+$0xFFFFFFD0] =	vst v8  }
0x100: {  	v57 =	vld [tilespmem:s14+$0xFFFFFFF0];
	[tilespmem:s9+$0x40] =	vst v54;
	v56 =	vand.u32 $0xFFFF0000, v14  }
0x101: {  	[tilespmem:s9+$0x50] =	vst v1;
	v1 =	vmul.f32 v56, v2  }
0x102: {  	[tilespmem:s28+$0x70] =	vst v7;
	v63 =	vshll.u32 v14, $0x10;
	v58 =	vld [tilespmem:s14+$0x30]  }
0x103: {  	v2 =	vmul.f32 v63, v2;
	[tilespmem:s9+$0xF0] =	vst v1;
	v1 =	vshll.u32 v55, $0x10  }
0x104: {  	[tilespmem:s28+$0xE0] =	vst v6;
	v59 =	vand.u32 $0xFFFF0000, v55;
	v1 =	vmul.f32 v1, v3  }
0x105: {  	v60 =	vshll.u32 v57, $0x10;
	v3 =	vmul.f32 v59, v3;
	[tilespmem:s13+$0xE0] =	vst v2  }
0x106: {  	v61 =	vand.u32 $0xFFFF0000, v57;
	v6 =	vmul.f32 v60, v4;
	[tilespmem:s13+$0xFFFFFF60] =	vst v1  }
0x107: {  	p2 =	sne.s32 s4, s8;
	v62 =	vmul.f32 v61, v4;
	v1 =	vshll.u32 v58, $0x10;
	[tilespmem:s13+$0xFFFFFF70] =	vst v3  }
.Ltmp2:
0x108: {  	v3 =	vand.u32 $0xFFFF0000, v58;
	v1 =	vmul.f32 v1, v5;
	[tilespmem:s13+$0xFFFFFFE0] =	vst v6;
	(pc) =	sbr.rel @p2 .LBB2_4-.Ltmp2, $4  }
0x109: {  	v3 =	vmul.f32 v3, v5;
	[tilespmem:s13+$0xFFFFFFF0] =	vst v62  }
0x10a: {  	[tilespmem:s13+$0x60] =	vst v1  }
0x10b: {  	s28 =	sadd.s32 $0x80, s26;
	p1 =	por !p1, !p1;
	[tilespmem:s13+$0x70] =	vst v3  }
0x10c: {  	[spmem:s3] =	stream.indirect.scatter.add.f32 [tilespmem:s11], [sflag:$0x3], $0x80, s28, s24, $0xb8;
	[tilespmem:$0x1FE80] =	vst v63  }
0x10d: {  	_ =	swait.ge [sflag:s30], $0x4000  }
0x10e: {  	[sflag:s30] =	ssyncset.done $0x0  }
0x10f: {  	[sflag:s30] =	ssyncadd.s32 $0xFFFFC000  }
0x110: {  	_ =	swait.ge [sflag:s30], $0x4000  }
0x111: {  	[sflag:s30] =	ssyncset.done $0x0  }
0x112: {  	[sflag:s30] =	ssyncadd.s32 $0xFFFFC000  }
0x113: {  	s0 =	sshrl.u32 @p0 s12, $0x3;
	s2 =	simm.s32 @p0 $0x1FC4;
	[bflag:$0x0] =	sbarrier.arrive $0xFFFF  }
0x114: {  	[hbm:s21], [sflag:s2] =	dma.local @p0 [spmem:s0], $0x2080  }
0x115: {  	s0 =	simm.s32 @p0 $0x4  }
0x116: {  	s2 =	stileid.u32;
	_ =	swait.ge @p0 [sflag:s0], $0x2080  }
0x117: {  	s31 =	sadd.s32 $0x1, s31;
	s2 =	sshll.u32 @!p0 s2, $0x6;
	[sflag:s0] =	ssyncset.done @p0 $0x0  }
0x118: {  	p1 =	sne.s32 s31, s22;
	[sflag:s0] =	ssyncadd.s32 @p0 $0xFFFFDF80;
	s0 =	sor.u32 @!p0 $0x1C04, s2  }
0x119: {  	[hbm:s20], [sflag:s0] =	dma.local @!p0 [spmem:s25], $0x2780  }
.Ltmp3:
0x11a: {  	_ = 	snop;
	(pc) =	sbr.rel @p1 .LBB2_1-.Ltmp3, $4  }
0x11b: {  	s0 =	simm.s32 @!p0 $0x4  }
0x11c: {  	_ =	swait.ge @!p0 [sflag:s0], $0x2780  }
0x11d: {  	[sflag:s0] =	ssyncset.done @!p0 $0x0  }
0x11e: {  	[sflag:s0] =	ssyncadd.s32 @!p0 $0xFFFFD880  }
0x11f: {  	_ =	sfence.sel $0x180000  }
0x120: {  	[bflag:$0x0] =	sbarrier.arrive $0xFFFF  }
0x121: {  	_ =	strace $0x90000047  }
0x122: {  	s0 =	stileid.u32;
	[bflag:$0x2] =	sbarrier.arrive $0xFFFF  }
0x123: {  	p0 =	sne.s32 s0, $0x0;
	s0 =	rddreg [dreg:$0x3]  }
0x124: {  	s0 =	sadd.s32 @!p0 $0x100000, s0  }
0x125: {  	[sflag:s0] =	ssyncadd.tile.s32 @!p0 $0x1;
	_ =	shalt  }
.Lfunc_end2:
_tile_overlayer_lowered:
.L_overlay_start_2:
0x126: {  	(tag) =	ssettag $0x2  }
0x127: {  	s0 =	rddreg [dreg:$0x0];
	s2 =	stileid.u32  }
0x128: {  	s1 =	rddreg [dreg:$0x1];
	p0 =	sne.s32 s2, $0x0  }
0x129: {  	s3 =	rddreg [dreg:$0x2];
	[bflag:$0x3] =	sbarrier.arrive $0xFFFF;
	s2 =	simm.s32 @!p0 $0x1C04  }
0x12a: {  	[timem:s3], [sflag:s2] =	dma.local @!p0 [hbm:s0], s1  }
0x12b: {  	s0 =	simm.s32 @!p0 $0x4  }
0x12c: {  	_ =	swait.ge @!p0 [sflag:s0], s1  }
0x12d: {  	s1 =	ssub.s32 @!p0 $0x0, s1;
	[sflag:s0] =	ssyncset.done @!p0 $0x0  }
0x12e: {  	[sflag:s0] =	ssyncadd.s32 @!p0 s1  }
0x12f: {  	[bflag:$0x3] =	sbarrier.arrive $0xFFFF  }
0x130: {  	_ =	shalt  }

</sc_bundles>
